<compile_context>
chip_gen: v7x
topology: tpu7x:2x2x1
jax: 0.10.2.dev20260603
libtpu: 0.0.44.dev20260713+nightly
codegen_flags: <defaults>
</compile_context>

<pallas_src>
import functools

import jax
import jax.numpy as jnp
from jax import lax
from jax.experimental import pallas as pl
from jax.experimental.pallas import tpu as pltpu
from jax.experimental.pallas import tpu_sc as plsc

VOCAB = 100000
DIM = 100
BATCH = 16384
HALF = BATCH // 2
N_ROWS = 2 * HALF
_DPAD = 128

_info = plsc.get_sparse_core_info()
_NC, _NS = _info.num_cores, _info.num_subcores
_NW = _NC * _NS
_B_PER_W = N_ROWS // _NW

_mesh = plsc.VectorSubcoreMesh(core_axis_name="c", subcore_axis_name="s")

_CHUNK = 128
_N_CHUNKS = _B_PER_W // _CHUNK


@functools.partial(
    pl.kernel,
    mesh=_mesh,
    out_type=jax.ShapeDtypeStruct((N_ROWS, _DPAD), jnp.float32),
    scratch_types=[
        pltpu.VMEM((_N_CHUNKS, _CHUNK), jnp.int32),
        pltpu.VMEM((2, _CHUNK, _DPAD), jnp.float32),
        pltpu.SemaphoreType.DMA,
        pltpu.SemaphoreType.DMA,
    ],
)
def _gather_rows(table_hbm, idx_hbm, out_hbm, idx_v, rows_v, gsem, osem):
    wid = lax.axis_index("s") * _NC + lax.axis_index("c")
    base = wid * _B_PER_W
    pltpu.sync_copy(idx_hbm.at[pl.ds(wid * _N_CHUNKS, _N_CHUNKS)], idx_v)
    pltpu.async_copy(table_hbm.at[idx_v.at[0]], rows_v.at[0], gsem)
    for j in range(_N_CHUNKS):
        b = j % 2
        pltpu.make_async_copy(
            table_hbm.at[idx_v.at[j]], rows_v.at[b], gsem
        ).wait()
        if j + 1 < _N_CHUNKS:
            if j >= 1:
                pltpu.make_async_copy(
                    rows_v.at[1 - b],
                    out_hbm.at[pl.ds(base + (j - 1) * _CHUNK, _CHUNK)],
                    osem,
                ).wait()
            pltpu.async_copy(
                table_hbm.at[idx_v.at[j + 1]], rows_v.at[1 - b], gsem
            )
        pltpu.async_copy(
            rows_v.at[b], out_hbm.at[pl.ds(base + j * _CHUNK, _CHUNK)], osem
        )
    for j in (_N_CHUNKS - 2, _N_CHUNKS - 1):
        pltpu.make_async_copy(
            rows_v.at[j % 2], out_hbm.at[pl.ds(base + j * _CHUNK, _CHUNK)], osem
        ).wait()


_PAD_ROWS = 10240


def _pad_body(xt_ref, o_ref):
    o_ref[:, :DIM] = jnp.transpose(xt_ref[...])


_pad_table = pl.pallas_call(
    _pad_body,
    grid=(pl.cdiv(VOCAB, _PAD_ROWS),),
    in_specs=[pl.BlockSpec((DIM, _PAD_ROWS), lambda i: (0, i))],
    out_specs=pl.BlockSpec((_PAD_ROWS, _DPAD), lambda i: (i, 0)),
    out_shape=jax.ShapeDtypeStruct((VOCAB, _DPAD), jnp.float32),
)

_CAT_ROWS = 2048
_N_CAT = HALF // _CAT_ROWS


def _concat_half_body(obj_ref, sub_ref, o_ref):
    o_ref[:DIM, :] = jnp.transpose(obj_ref[...])[:DIM, :]
    o_ref[DIM:, :] = jnp.transpose(sub_ref[...])[:DIM, :]


_concat_a = pl.pallas_call(
    _concat_half_body,
    grid=(_N_CAT,),
    in_specs=[
        pl.BlockSpec((_CAT_ROWS, _DPAD), lambda i: (i, 0)),
        pl.BlockSpec((_CAT_ROWS, _DPAD), lambda i: (i + _N_CAT, 0)),
    ],
    out_specs=pl.BlockSpec((2 * DIM, _CAT_ROWS), lambda i: (0, i)),
    out_shape=jax.ShapeDtypeStruct((2 * DIM, BATCH), jnp.float32),
)


def _concat_b_body(obj_ref, sub_ref, acc_ref, o_ref):
    del acc_ref
    o_ref[:DIM, :] = jnp.transpose(obj_ref[...])[:DIM, :]
    o_ref[DIM:, :] = jnp.transpose(sub_ref[...])[:DIM, :]


_concat_b = pl.pallas_call(
    _concat_b_body,
    grid=(_N_CAT,),
    in_specs=[
        pl.BlockSpec((_CAT_ROWS, _DPAD), lambda i: (i, 0)),
        pl.BlockSpec((_CAT_ROWS, _DPAD), lambda i: (i + _N_CAT, 0)),
        pl.BlockSpec(memory_space=pl.ANY),
    ],
    out_specs=pl.BlockSpec((2 * DIM, _CAT_ROWS), lambda i: (0, i + _N_CAT)),
    out_shape=jax.ShapeDtypeStruct((2 * DIM, BATCH), jnp.float32),
    input_output_aliases={2: 0},
)


def kernel(word_embs, obj_category, sub_category):
    obj = obj_category.astype(jnp.int32)
    sub = sub_category.astype(jnp.int32)
    idx_a = jnp.concatenate([obj[:HALF], sub[:HALF]]).reshape(
        N_ROWS // _CHUNK, _CHUNK
    )
    idx_b = jnp.concatenate([obj[HALF:], sub[HALF:]]).reshape(
        N_ROWS // _CHUNK, _CHUNK
    )
    table_p = _pad_table(word_embs.T)
    rows_a = _gather_rows(table_p, idx_a)
    rows_b = _gather_rows(table_p, idx_b)
    out_a = _concat_a(rows_a, rows_a)
    out = _concat_b(rows_b, rows_b, out_a)
    return out.T

# --- scband reference (transcript-rebuilt; emitter-appended) ---
"""Pipeline reference for scband-word-emb-54760833024565 (READ-ONLY COPY).

The authoritative reference and input builder live on the scoring server;
editing this copy changes nothing except your own understanding.
"""

import jax, jax.numpy as jnp
import numpy as np

VOCAB = 100000
DIM = 100
BATCH = 16384


def setup_inputs(seed: int = 0) -> dict:
    key = jax.random.key(seed)
    k1, k2, k3 = jax.random.split(key, 3)
    # Learned parameter: the GloVe embedding table (vocab x 100), materialized randomly.
    word_embs = jax.random.normal(k1, (VOCAB, DIM), dtype=jnp.float32)
    obj_category = jax.random.randint(k2, (BATCH,), 0, VOCAB, dtype=jnp.int64)
    sub_category = jax.random.randint(k3, (BATCH,), 0, VOCAB, dtype=jnp.int64)
    return {"word_embs": word_embs, "obj_category": obj_category, "sub_category": sub_category}


def reference(word_embs, obj_category, sub_category):
    # Faithful translation of WordEmb.forward:
    #   obj_emb = table lookup of obj_category rows
    #   sub_emb = table lookup of sub_category rows
    #   concat along feature axis -> [B, 2*DIM]
    obj_emb = jnp.take(word_embs, obj_category, axis=0)
    sub_emb = jnp.take(word_embs, sub_category, axis=0)
    embs = jnp.concatenate([obj_emb, sub_emb], axis=1)
    return embs

if __name__ == "__main__":
    import jax
    _d = setup_inputs()
    print(jax.jit(kernel)(*tuple(_d.values())))

</pallas_src>

<mosaic_0001>
#map = affine_map<(d0, d1) -> (0, 0)>
module attributes {stable_mosaic.version = 14 : i64} {
  func.func @_gather_rows(%arg0: i32, %arg1: i32, %arg2: memref<100000x128xf32, #tpu.memory_space<hbm>>, %arg3: memref<128x128xi32, #tpu.memory_space<hbm>>, %arg4: memref<16384x128xf32, #tpu.memory_space<hbm>>, %arg5: memref<4x128xi32, #tpu.memory_space<vmem>>, %arg6: memref<2x128x128xf32, #tpu.memory_space<vmem>>, %arg7: memref<!tpu.dma_semaphore, #tpu.memory_space<semaphore_mem>>, %arg8: memref<!tpu.dma_semaphore, #tpu.memory_space<semaphore_mem>>) attributes {dimension_semantics = [#tpu.dimension_semantics<core_parallel>, #tpu.dimension_semantics<subcore_parallel>], iteration_bounds = array<i64: 2, 16>, scalar_prefetch = 0 : i64, scratch_operands = 4 : i64, tpu.core_type = #tpu.core_type<sc_vector_subcore>, window_params = [{transform_indices = #map}, {transform_indices = #map}, {transform_indices = #map}]} {
    %mul3A = arith.constant 2 : i32
    %mul3A_0 = arith.muli %arg1, %mul3A : i32
    %add3A = arith.addi %mul3A_0, %arg0 : i32
    %mul3A_1 = arith.constant 512 : i32
    %mul3A_2 = arith.muli %add3A, %mul3A_1 : i32
    %mul3A_3 = arith.constant 4 : i32
    %mul3A_4 = arith.muli %add3A, %mul3A_3 : i32
    "tpu.region"() ({
      %run_scoped3A = tpu.sem_alloc : memref<!tpu.dma_semaphore, #tpu.memory_space<semaphore_mem>>
      %dma_start3A_219 = arith.constant 0 : i32
      %dma_start3A_220 = tpu.memref_slice %arg3[%mul3A_4, %dma_start3A_219] : memref<128x128xi32, #tpu.memory_space<hbm>> -> memref<4x128xi32, #tpu.memory_space<hbm>>
      %dma_start3A_221 = arith.constant 0 : i32
      %dma_start3A_222 = tpu.memref_slice %arg3[%mul3A_4, %dma_start3A_221] : memref<128x128xi32, #tpu.memory_space<hbm>> -> memref<4x128xi32, #tpu.memory_space<hbm>>
      tpu.enqueue_dma source(%dma_start3A_222 : memref<4x128xi32, #tpu.memory_space<hbm>>) target(%arg5 : memref<4x128xi32, #tpu.memory_space<vmem>>) target_semaphore(%run_scoped3A : memref<!tpu.dma_semaphore, #tpu.memory_space<semaphore_mem>>)
      %dma_wait3A_223 = arith.constant 0 : i32
      %dma_wait3A_224 = tpu.memref_slice %arg3[%mul3A_4, %dma_wait3A_223] : memref<128x128xi32, #tpu.memory_space<hbm>> -> memref<4x128xi32, #tpu.memory_space<hbm>>
      %dma_wait3A_225 = arith.constant 0 : i32
      %dma_wait3A_226 = tpu.memref_slice %arg3[%mul3A_4, %dma_wait3A_225] : memref<128x128xi32, #tpu.memory_space<hbm>> -> memref<4x128xi32, #tpu.memory_space<hbm>>
      tpu.wait_dma2 semaphore(%run_scoped3A : memref<!tpu.dma_semaphore, #tpu.memory_space<semaphore_mem>>) src(%dma_wait3A_226 : memref<4x128xi32, #tpu.memory_space<hbm>>) dst(%arg5 : memref<4x128xi32, #tpu.memory_space<vmem>>)
      tpu.yield
    }) : () -> ()
    %dma_start3A = arith.constant 0 : i32
    %dma_start3A_5 = arith.constant 0 : i32
    %dma_start3A_6 = arith.constant 0 : i32
    %dma_start3A_7 = arith.constant 0 : i32
    %dma_start3A_8 = tpu.memref_slice %arg6[%dma_start3A_5, %dma_start3A_6, %dma_start3A_7] : memref<2x128x128xf32, #tpu.memory_space<vmem>> -> memref<1x128x128xf32, #tpu.memory_space<vmem>>
    %dma_start3A_9 = tpu.memref_squeeze %dma_start3A_8 : memref<1x128x128xf32, #tpu.memory_space<vmem>> -> memref<128x128xf32, #tpu.memory_space<vmem>>
    %dma_start3A_10 = arith.constant 0 : i32
    %dma_start3A_11 = tpu.memref_slice %arg5[%dma_start3A, %dma_start3A_10] : memref<4x128xi32, #tpu.memory_space<vmem>> -> memref<1x128xi32, #tpu.memory_space<vmem>>
    %dma_start3A_12 = tpu.memref_squeeze %dma_start3A_11 : memref<1x128xi32, #tpu.memory_space<vmem>> -> memref<128xi32, #tpu.memory_space<vmem>>
    %dma_start3A_13 = arith.constant 0 : i32
    %dma_start3A_14 = arith.constant 0 : i32
    %dma_start3A_15 = tpu.memref_slice %arg2[%dma_start3A_13, %dma_start3A_14] : memref<100000x128xf32, #tpu.memory_space<hbm>> -> memref<100000x128xf32, #tpu.memory_space<hbm>>
    tpu.enqueue_indirect_dma source(%dma_start3A_15 : memref<100000x128xf32, #tpu.memory_space<hbm>>) target(%dma_start3A_9 : memref<128x128xf32, #tpu.memory_space<vmem>>) offsets(%dma_start3A_12 : memref<128xi32, #tpu.memory_space<vmem>>) semaphore(%arg7 : memref<!tpu.dma_semaphore, #tpu.memory_space<semaphore_mem>>)
    %dma_wait3A = arith.constant 0 : i32
    %dma_wait3A_16 = arith.constant 0 : i32
    %dma_wait3A_17 = arith.constant 0 : i32
    %dma_wait3A_18 = arith.constant 0 : i32
    %dma_wait3A_19 = tpu.memref_slice %arg6[%dma_wait3A_16, %dma_wait3A_17, %dma_wait3A_18] : memref<2x128x128xf32, #tpu.memory_space<vmem>> -> memref<1x128x128xf32, #tpu.memory_space<vmem>>
    %dma_wait3A_20 = tpu.memref_squeeze %dma_wait3A_19 : memref<1x128x128xf32, #tpu.memory_space<vmem>> -> memref<128x128xf32, #tpu.memory_space<vmem>>
    %dma_wait3A_21 = arith.constant 0 : i32
    %dma_wait3A_22 = tpu.memref_slice %arg5[%dma_wait3A, %dma_wait3A_21] : memref<4x128xi32, #tpu.memory_space<vmem>> -> memref<1x128xi32, #tpu.memory_space<vmem>>
    %dma_wait3A_23 = tpu.memref_squeeze %dma_wait3A_22 : memref<1x128xi32, #tpu.memory_space<vmem>> -> memref<128xi32, #tpu.memory_space<vmem>>
    %dma_wait3A_24 = arith.constant 0 : i32
    %dma_wait3A_25 = arith.constant 0 : i32
    %dma_wait3A_26 = tpu.memref_slice %arg2[%dma_wait3A_24, %dma_wait3A_25] : memref<100000x128xf32, #tpu.memory_space<hbm>> -> memref<100000x128xf32, #tpu.memory_space<hbm>>
    tpu.wait_indirect_dma semaphore(%arg7 : memref<!tpu.dma_semaphore, #tpu.memory_space<semaphore_mem>>) src(%dma_wait3A_26 : memref<100000x128xf32, #tpu.memory_space<hbm>>) dst(%dma_wait3A_20 : memref<128x128xf32, #tpu.memory_space<vmem>>)
    %dma_start3A_27 = arith.constant 1 : i32
    %dma_start3A_28 = arith.constant 1 : i32
    %dma_start3A_29 = arith.constant 0 : i32
    %dma_start3A_30 = arith.constant 0 : i32
    %dma_start3A_31 = tpu.memref_slice %arg6[%dma_start3A_28, %dma_start3A_29, %dma_start3A_30] : memref<2x128x128xf32, #tpu.memory_space<vmem>> -> memref<1x128x128xf32, #tpu.memory_space<vmem>>
    %dma_start3A_32 = tpu.memref_squeeze %dma_start3A_31 : memref<1x128x128xf32, #tpu.memory_space<vmem>> -> memref<128x128xf32, #tpu.memory_space<vmem>>
    %dma_start3A_33 = arith.constant 0 : i32
    %dma_start3A_34 = tpu.memref_slice %arg5[%dma_start3A_27, %dma_start3A_33] : memref<4x128xi32, #tpu.memory_space<vmem>> -> memref<1x128xi32, #tpu.memory_space<vmem>>
    %dma_start3A_35 = tpu.memref_squeeze %dma_start3A_34 : memref<1x128xi32, #tpu.memory_space<vmem>> -> memref<128xi32, #tpu.memory_space<vmem>>
    %dma_start3A_36 = arith.constant 0 : i32
    %dma_start3A_37 = arith.constant 0 : i32
    %dma_start3A_38 = tpu.memref_slice %arg2[%dma_start3A_36, %dma_start3A_37] : memref<100000x128xf32, #tpu.memory_space<hbm>> -> memref<100000x128xf32, #tpu.memory_space<hbm>>
    tpu.enqueue_indirect_dma source(%dma_start3A_38 : memref<100000x128xf32, #tpu.memory_space<hbm>>) target(%dma_start3A_32 : memref<128x128xf32, #tpu.memory_space<vmem>>) offsets(%dma_start3A_35 : memref<128xi32, #tpu.memory_space<vmem>>) semaphore(%arg7 : memref<!tpu.dma_semaphore, #tpu.memory_space<semaphore_mem>>)
    %add3A_39 = arith.constant 0 : i32
    %add3A_40 = arith.addi %mul3A_2, %add3A_39 : i32
    %dma_start3A_41 = arith.constant 0 : i32
    %dma_start3A_42 = arith.constant 0 : i32
    %dma_start3A_43 = arith.constant 0 : i32
    %dma_start3A_44 = tpu.memref_slice %arg6[%dma_start3A_41, %dma_start3A_42, %dma_start3A_43] : memref<2x128x128xf32, #tpu.memory_space<vmem>> -> memref<1x128x128xf32, #tpu.memory_space<vmem>>
    %dma_start3A_45 = tpu.memref_squeeze %dma_start3A_44 : memref<1x128x128xf32, #tpu.memory_space<vmem>> -> memref<128x128xf32, #tpu.memory_space<vmem>>
    %dma_start3A_46 = arith.constant 0 : i32
    %dma_start3A_47 = tpu.memref_slice %arg4[%add3A_40, %dma_start3A_46] : memref<16384x128xf32, #tpu.memory_space<hbm>> -> memref<128x128xf32, #tpu.memory_space<hbm>>
    %dma_start3A_48 = arith.constant 0 : i32
    %dma_start3A_49 = tpu.memref_slice %arg4[%add3A_40, %dma_start3A_48] : memref<16384x128xf32, #tpu.memory_space<hbm>> -> memref<128x128xf32, #tpu.memory_space<hbm>>
    %dma_start3A_50 = arith.constant 0 : i32
    %dma_start3A_51 = arith.constant 0 : i32
    %dma_start3A_52 = tpu.memref_slice %arg6[%dma_start3A_41, %dma_start3A_50, %dma_start3A_51] : memref<2x128x128xf32, #tpu.memory_space<vmem>> -> memref<1x128x128xf32, #tpu.memory_space<vmem>>
    %dma_start3A_53 = tpu.memref_squeeze %dma_start3A_52 : memref<1x128x128xf32, #tpu.memory_space<vmem>> -> memref<128x128xf32, #tpu.memory_space<vmem>>
    tpu.enqueue_dma source(%dma_start3A_53 : memref<128x128xf32, #tpu.memory_space<vmem>>) target(%dma_start3A_49 : memref<128x128xf32, #tpu.memory_space<hbm>>) target_semaphore(%arg8 : memref<!tpu.dma_semaphore, #tpu.memory_space<semaphore_mem>>)
    %dma_wait3A_54 = arith.constant 1 : i32
    %dma_wait3A_55 = arith.constant 1 : i32
    %dma_wait3A_56 = arith.constant 0 : i32
    %dma_wait3A_57 = arith.constant 0 : i32
    %dma_wait3A_58 = tpu.memref_slice %arg6[%dma_wait3A_55, %dma_wait3A_56, %dma_wait3A_57] : memref<2x128x128xf32, #tpu.memory_space<vmem>> -> memref<1x128x128xf32, #tpu.memory_space<vmem>>
    %dma_wait3A_59 = tpu.memref_squeeze %dma_wait3A_58 : memref<1x128x128xf32, #tpu.memory_space<vmem>> -> memref<128x128xf32, #tpu.memory_space<vmem>>
    %dma_wait3A_60 = arith.constant 0 : i32
    %dma_wait3A_61 = tpu.memref_slice %arg5[%dma_wait3A_54, %dma_wait3A_60] : memref<4x128xi32, #tpu.memory_space<vmem>> -> memref<1x128xi32, #tpu.memory_space<vmem>>
    %dma_wait3A_62 = tpu.memref_squeeze %dma_wait3A_61 : memref<1x128xi32, #tpu.memory_space<vmem>> -> memref<128xi32, #tpu.memory_space<vmem>>
    %dma_wait3A_63 = arith.constant 0 : i32
    %dma_wait3A_64 = arith.constant 0 : i32
    %dma_wait3A_65 = tpu.memref_slice %arg2[%dma_wait3A_63, %dma_wait3A_64] : memref<100000x128xf32, #tpu.memory_space<hbm>> -> memref<100000x128xf32, #tpu.memory_space<hbm>>
    tpu.wait_indirect_dma semaphore(%arg7 : memref<!tpu.dma_semaphore, #tpu.memory_space<semaphore_mem>>) src(%dma_wait3A_65 : memref<100000x128xf32, #tpu.memory_space<hbm>>) dst(%dma_wait3A_59 : memref<128x128xf32, #tpu.memory_space<vmem>>)
    %add3A_66 = arith.constant 0 : i32
    %add3A_67 = arith.addi %mul3A_2, %add3A_66 : i32
    %dma_wait3A_68 = arith.constant 0 : i32
    %dma_wait3A_69 = arith.constant 0 : i32
    %dma_wait3A_70 = arith.constant 0 : i32
    %dma_wait3A_71 = tpu.memref_slice %arg6[%dma_wait3A_68, %dma_wait3A_69, %dma_wait3A_70] : memref<2x128x128xf32, #tpu.memory_space<vmem>> -> memref<1x128x128xf32, #tpu.memory_space<vmem>>
    %dma_wait3A_72 = tpu.memref_squeeze %dma_wait3A_71 : memref<1x128x128xf32, #tpu.memory_space<vmem>> -> memref<128x128xf32, #tpu.memory_space<vmem>>
    %dma_wait3A_73 = arith.constant 0 : i32
    %dma_wait3A_74 = tpu.memref_slice %arg4[%add3A_67, %dma_wait3A_73] : memref<16384x128xf32, #tpu.memory_space<hbm>> -> memref<128x128xf32, #tpu.memory_space<hbm>>
    %dma_wait3A_75 = arith.constant 0 : i32
    %dma_wait3A_76 = tpu.memref_slice %arg4[%add3A_67, %dma_wait3A_75] : memref<16384x128xf32, #tpu.memory_space<hbm>> -> memref<128x128xf32, #tpu.memory_space<hbm>>
    %dma_wait3A_77 = arith.constant 0 : i32
    %dma_wait3A_78 = arith.constant 0 : i32
    %dma_wait3A_79 = tpu.memref_slice %arg6[%dma_wait3A_68, %dma_wait3A_77, %dma_wait3A_78] : memref<2x128x128xf32, #tpu.memory_space<vmem>> -> memref<1x128x128xf32, #tpu.memory_space<vmem>>
    %dma_wait3A_80 = tpu.memref_squeeze %dma_wait3A_79 : memref<1x128x128xf32, #tpu.memory_space<vmem>> -> memref<128x128xf32, #tpu.memory_space<vmem>>
    tpu.wait_dma2 semaphore(%arg8 : memref<!tpu.dma_semaphore, #tpu.memory_space<semaphore_mem>>) src(%dma_wait3A_80 : memref<128x128xf32, #tpu.memory_space<vmem>>) dst(%dma_wait3A_76 : memref<128x128xf32, #tpu.memory_space<hbm>>)
    %dma_start3A_81 = arith.constant 2 : i32
    %dma_start3A_82 = arith.constant 0 : i32
    %dma_start3A_83 = arith.constant 0 : i32
    %dma_start3A_84 = arith.constant 0 : i32
    %dma_start3A_85 = tpu.memref_slice %arg6[%dma_start3A_82, %dma_start3A_83, %dma_start3A_84] : memref<2x128x128xf32, #tpu.memory_space<vmem>> -> memref<1x128x128xf32, #tpu.memory_space<vmem>>
    %dma_start3A_86 = tpu.memref_squeeze %dma_start3A_85 : memref<1x128x128xf32, #tpu.memory_space<vmem>> -> memref<128x128xf32, #tpu.memory_space<vmem>>
    %dma_start3A_87 = arith.constant 0 : i32
    %dma_start3A_88 = tpu.memref_slice %arg5[%dma_start3A_81, %dma_start3A_87] : memref<4x128xi32, #tpu.memory_space<vmem>> -> memref<1x128xi32, #tpu.memory_space<vmem>>
    %dma_start3A_89 = tpu.memref_squeeze %dma_start3A_88 : memref<1x128xi32, #tpu.memory_space<vmem>> -> memref<128xi32, #tpu.memory_space<vmem>>
    %dma_start3A_90 = arith.constant 0 : i32
    %dma_start3A_91 = arith.constant 0 : i32
    %dma_start3A_92 = tpu.memref_slice %arg2[%dma_start3A_90, %dma_start3A_91] : memref<100000x128xf32, #tpu.memory_space<hbm>> -> memref<100000x128xf32, #tpu.memory_space<hbm>>
    tpu.enqueue_indirect_dma source(%dma_start3A_92 : memref<100000x128xf32, #tpu.memory_space<hbm>>) target(%dma_start3A_86 : memref<128x128xf32, #tpu.memory_space<vmem>>) offsets(%dma_start3A_89 : memref<128xi32, #tpu.memory_space<vmem>>) semaphore(%arg7 : memref<!tpu.dma_semaphore, #tpu.memory_space<semaphore_mem>>)
    %add3A_93 = arith.constant 128 : i32
    %add3A_94 = arith.addi %mul3A_2, %add3A_93 : i32
    %dma_start3A_95 = arith.constant 1 : i32
    %dma_start3A_96 = arith.constant 0 : i32
    %dma_start3A_97 = arith.constant 0 : i32
    %dma_start3A_98 = tpu.memref_slice %arg6[%dma_start3A_95, %dma_start3A_96, %dma_start3A_97] : memref<2x128x128xf32, #tpu.memory_space<vmem>> -> memref<1x128x128xf32, #tpu.memory_space<vmem>>
    %dma_start3A_99 = tpu.memref_squeeze %dma_start3A_98 : memref<1x128x128xf32, #tpu.memory_space<vmem>> -> memref<128x128xf32, #tpu.memory_space<vmem>>
    %dma_start3A_100 = arith.constant 0 : i32
    %dma_start3A_101 = tpu.memref_slice %arg4[%add3A_94, %dma_start3A_100] : memref<16384x128xf32, #tpu.memory_space<hbm>> -> memref<128x128xf32, #tpu.memory_space<hbm>>
    %dma_start3A_102 = arith.constant 0 : i32
    %dma_start3A_103 = tpu.memref_slice %arg4[%add3A_94, %dma_start3A_102] : memref<16384x128xf32, #tpu.memory_space<hbm>> -> memref<128x128xf32, #tpu.memory_space<hbm>>
    %dma_start3A_104 = arith.constant 0 : i32
    %dma_start3A_105 = arith.constant 0 : i32
    %dma_start3A_106 = tpu.memref_slice %arg6[%dma_start3A_95, %dma_start3A_104, %dma_start3A_105] : memref<2x128x128xf32, #tpu.memory_space<vmem>> -> memref<1x128x128xf32, #tpu.memory_space<vmem>>
    %dma_start3A_107 = tpu.memref_squeeze %dma_start3A_106 : memref<1x128x128xf32, #tpu.memory_space<vmem>> -> memref<128x128xf32, #tpu.memory_space<vmem>>
    tpu.enqueue_dma source(%dma_start3A_107 : memref<128x128xf32, #tpu.memory_space<vmem>>) target(%dma_start3A_103 : memref<128x128xf32, #tpu.memory_space<hbm>>) target_semaphore(%arg8 : memref<!tpu.dma_semaphore, #tpu.memory_space<semaphore_mem>>)
    %dma_wait3A_108 = arith.constant 2 : i32
    %dma_wait3A_109 = arith.constant 0 : i32
    %dma_wait3A_110 = arith.constant 0 : i32
    %dma_wait3A_111 = arith.constant 0 : i32
    %dma_wait3A_112 = tpu.memref_slice %arg6[%dma_wait3A_109, %dma_wait3A_110, %dma_wait3A_111] : memref<2x128x128xf32, #tpu.memory_space<vmem>> -> memref<1x128x128xf32, #tpu.memory_space<vmem>>
    %dma_wait3A_113 = tpu.memref_squeeze %dma_wait3A_112 : memref<1x128x128xf32, #tpu.memory_space<vmem>> -> memref<128x128xf32, #tpu.memory_space<vmem>>
    %dma_wait3A_114 = arith.constant 0 : i32
    %dma_wait3A_115 = tpu.memref_slice %arg5[%dma_wait3A_108, %dma_wait3A_114] : memref<4x128xi32, #tpu.memory_space<vmem>> -> memref<1x128xi32, #tpu.memory_space<vmem>>
    %dma_wait3A_116 = tpu.memref_squeeze %dma_wait3A_115 : memref<1x128xi32, #tpu.memory_space<vmem>> -> memref<128xi32, #tpu.memory_space<vmem>>
    %dma_wait3A_117 = arith.constant 0 : i32
    %dma_wait3A_118 = arith.constant 0 : i32
    %dma_wait3A_119 = tpu.memref_slice %arg2[%dma_wait3A_117, %dma_wait3A_118] : memref<100000x128xf32, #tpu.memory_space<hbm>> -> memref<100000x128xf32, #tpu.memory_space<hbm>>
    tpu.wait_indirect_dma semaphore(%arg7 : memref<!tpu.dma_semaphore, #tpu.memory_space<semaphore_mem>>) src(%dma_wait3A_119 : memref<100000x128xf32, #tpu.memory_space<hbm>>) dst(%dma_wait3A_113 : memref<128x128xf32, #tpu.memory_space<vmem>>)
    %add3A_120 = arith.constant 128 : i32
    %add3A_121 = arith.addi %mul3A_2, %add3A_120 : i32
    %dma_wait3A_122 = arith.constant 1 : i32
    %dma_wait3A_123 = arith.constant 0 : i32
    %dma_wait3A_124 = arith.constant 0 : i32
    %dma_wait3A_125 = tpu.memref_slice %arg6[%dma_wait3A_122, %dma_wait3A_123, %dma_wait3A_124] : memref<2x128x128xf32, #tpu.memory_space<vmem>> -> memref<1x128x128xf32, #tpu.memory_space<vmem>>
    %dma_wait3A_126 = tpu.memref_squeeze %dma_wait3A_125 : memref<1x128x128xf32, #tpu.memory_space<vmem>> -> memref<128x128xf32, #tpu.memory_space<vmem>>
    %dma_wait3A_127 = arith.constant 0 : i32
    %dma_wait3A_128 = tpu.memref_slice %arg4[%add3A_121, %dma_wait3A_127] : memref<16384x128xf32, #tpu.memory_space<hbm>> -> memref<128x128xf32, #tpu.memory_space<hbm>>
    %dma_wait3A_129 = arith.constant 0 : i32
    %dma_wait3A_130 = tpu.memref_slice %arg4[%add3A_121, %dma_wait3A_129] : memref<16384x128xf32, #tpu.memory_space<hbm>> -> memref<128x128xf32, #tpu.memory_space<hbm>>
    %dma_wait3A_131 = arith.constant 0 : i32
    %dma_wait3A_132 = arith.constant 0 : i32
    %dma_wait3A_133 = tpu.memref_slice %arg6[%dma_wait3A_122, %dma_wait3A_131, %dma_wait3A_132] : memref<2x128x128xf32, #tpu.memory_space<vmem>> -> memref<1x128x128xf32, #tpu.memory_space<vmem>>
    %dma_wait3A_134 = tpu.memref_squeeze %dma_wait3A_133 : memref<1x128x128xf32, #tpu.memory_space<vmem>> -> memref<128x128xf32, #tpu.memory_space<vmem>>
    tpu.wait_dma2 semaphore(%arg8 : memref<!tpu.dma_semaphore, #tpu.memory_space<semaphore_mem>>) src(%dma_wait3A_134 : memref<128x128xf32, #tpu.memory_space<vmem>>) dst(%dma_wait3A_130 : memref<128x128xf32, #tpu.memory_space<hbm>>)
    %dma_start3A_135 = arith.constant 3 : i32
    %dma_start3A_136 = arith.constant 1 : i32
    %dma_start3A_137 = arith.constant 0 : i32
    %dma_start3A_138 = arith.constant 0 : i32
    %dma_start3A_139 = tpu.memref_slice %arg6[%dma_start3A_136, %dma_start3A_137, %dma_start3A_138] : memref<2x128x128xf32, #tpu.memory_space<vmem>> -> memref<1x128x128xf32, #tpu.memory_space<vmem>>
    %dma_start3A_140 = tpu.memref_squeeze %dma_start3A_139 : memref<1x128x128xf32, #tpu.memory_space<vmem>> -> memref<128x128xf32, #tpu.memory_space<vmem>>
    %dma_start3A_141 = arith.constant 0 : i32
    %dma_start3A_142 = tpu.memref_slice %arg5[%dma_start3A_135, %dma_start3A_141] : memref<4x128xi32, #tpu.memory_space<vmem>> -> memref<1x128xi32, #tpu.memory_space<vmem>>
    %dma_start3A_143 = tpu.memref_squeeze %dma_start3A_142 : memref<1x128xi32, #tpu.memory_space<vmem>> -> memref<128xi32, #tpu.memory_space<vmem>>
    %dma_start3A_144 = arith.constant 0 : i32
    %dma_start3A_145 = arith.constant 0 : i32
    %dma_start3A_146 = tpu.memref_slice %arg2[%dma_start3A_144, %dma_start3A_145] : memref<100000x128xf32, #tpu.memory_space<hbm>> -> memref<100000x128xf32, #tpu.memory_space<hbm>>
    tpu.enqueue_indirect_dma source(%dma_start3A_146 : memref<100000x128xf32, #tpu.memory_space<hbm>>) target(%dma_start3A_140 : memref<128x128xf32, #tpu.memory_space<vmem>>) offsets(%dma_start3A_143 : memref<128xi32, #tpu.memory_space<vmem>>) semaphore(%arg7 : memref<!tpu.dma_semaphore, #tpu.memory_space<semaphore_mem>>)
    %add3A_147 = arith.constant 256 : i32
    %add3A_148 = arith.addi %mul3A_2, %add3A_147 : i32
    %dma_start3A_149 = arith.constant 0 : i32
    %dma_start3A_150 = arith.constant 0 : i32
    %dma_start3A_151 = arith.constant 0 : i32
    %dma_start3A_152 = tpu.memref_slice %arg6[%dma_start3A_149, %dma_start3A_150, %dma_start3A_151] : memref<2x128x128xf32, #tpu.memory_space<vmem>> -> memref<1x128x128xf32, #tpu.memory_space<vmem>>
    %dma_start3A_153 = tpu.memref_squeeze %dma_start3A_152 : memref<1x128x128xf32, #tpu.memory_space<vmem>> -> memref<128x128xf32, #tpu.memory_space<vmem>>
    %dma_start3A_154 = arith.constant 0 : i32
    %dma_start3A_155 = tpu.memref_slice %arg4[%add3A_148, %dma_start3A_154] : memref<16384x128xf32, #tpu.memory_space<hbm>> -> memref<128x128xf32, #tpu.memory_space<hbm>>
    %dma_start3A_156 = arith.constant 0 : i32
    %dma_start3A_157 = tpu.memref_slice %arg4[%add3A_148, %dma_start3A_156] : memref<16384x128xf32, #tpu.memory_space<hbm>> -> memref<128x128xf32, #tpu.memory_space<hbm>>
    %dma_start3A_158 = arith.constant 0 : i32
    %dma_start3A_159 = arith.constant 0 : i32
    %dma_start3A_160 = tpu.memref_slice %arg6[%dma_start3A_149, %dma_start3A_158, %dma_start3A_159] : memref<2x128x128xf32, #tpu.memory_space<vmem>> -> memref<1x128x128xf32, #tpu.memory_space<vmem>>
    %dma_start3A_161 = tpu.memref_squeeze %dma_start3A_160 : memref<1x128x128xf32, #tpu.memory_space<vmem>> -> memref<128x128xf32, #tpu.memory_space<vmem>>
    tpu.enqueue_dma source(%dma_start3A_161 : memref<128x128xf32, #tpu.memory_space<vmem>>) target(%dma_start3A_157 : memref<128x128xf32, #tpu.memory_space<hbm>>) target_semaphore(%arg8 : memref<!tpu.dma_semaphore, #tpu.memory_space<semaphore_mem>>)
    %dma_wait3A_162 = arith.constant 3 : i32
    %dma_wait3A_163 = arith.constant 1 : i32
    %dma_wait3A_164 = arith.constant 0 : i32
    %dma_wait3A_165 = arith.constant 0 : i32
    %dma_wait3A_166 = tpu.memref_slice %arg6[%dma_wait3A_163, %dma_wait3A_164, %dma_wait3A_165] : memref<2x128x128xf32, #tpu.memory_space<vmem>> -> memref<1x128x128xf32, #tpu.memory_space<vmem>>
    %dma_wait3A_167 = tpu.memref_squeeze %dma_wait3A_166 : memref<1x128x128xf32, #tpu.memory_space<vmem>> -> memref<128x128xf32, #tpu.memory_space<vmem>>
    %dma_wait3A_168 = arith.constant 0 : i32
    %dma_wait3A_169 = tpu.memref_slice %arg5[%dma_wait3A_162, %dma_wait3A_168] : memref<4x128xi32, #tpu.memory_space<vmem>> -> memref<1x128xi32, #tpu.memory_space<vmem>>
    %dma_wait3A_170 = tpu.memref_squeeze %dma_wait3A_169 : memref<1x128xi32, #tpu.memory_space<vmem>> -> memref<128xi32, #tpu.memory_space<vmem>>
    %dma_wait3A_171 = arith.constant 0 : i32
    %dma_wait3A_172 = arith.constant 0 : i32
    %dma_wait3A_173 = tpu.memref_slice %arg2[%dma_wait3A_171, %dma_wait3A_172] : memref<100000x128xf32, #tpu.memory_space<hbm>> -> memref<100000x128xf32, #tpu.memory_space<hbm>>
    tpu.wait_indirect_dma semaphore(%arg7 : memref<!tpu.dma_semaphore, #tpu.memory_space<semaphore_mem>>) src(%dma_wait3A_173 : memref<100000x128xf32, #tpu.memory_space<hbm>>) dst(%dma_wait3A_167 : memref<128x128xf32, #tpu.memory_space<vmem>>)
    %add3A_174 = arith.constant 384 : i32
    %add3A_175 = arith.addi %mul3A_2, %add3A_174 : i32
    %dma_start3A_176 = arith.constant 1 : i32
    %dma_start3A_177 = arith.constant 0 : i32
    %dma_start3A_178 = arith.constant 0 : i32
    %dma_start3A_179 = tpu.memref_slice %arg6[%dma_start3A_176, %dma_start3A_177, %dma_start3A_178] : memref<2x128x128xf32, #tpu.memory_space<vmem>> -> memref<1x128x128xf32, #tpu.memory_space<vmem>>
    %dma_start3A_180 = tpu.memref_squeeze %dma_start3A_179 : memref<1x128x128xf32, #tpu.memory_space<vmem>> -> memref<128x128xf32, #tpu.memory_space<vmem>>
    %dma_start3A_181 = arith.constant 0 : i32
    %dma_start3A_182 = tpu.memref_slice %arg4[%add3A_175, %dma_start3A_181] : memref<16384x128xf32, #tpu.memory_space<hbm>> -> memref<128x128xf32, #tpu.memory_space<hbm>>
    %dma_start3A_183 = arith.constant 0 : i32
    %dma_start3A_184 = tpu.memref_slice %arg4[%add3A_175, %dma_start3A_183] : memref<16384x128xf32, #tpu.memory_space<hbm>> -> memref<128x128xf32, #tpu.memory_space<hbm>>
    %dma_start3A_185 = arith.constant 0 : i32
    %dma_start3A_186 = arith.constant 0 : i32
    %dma_start3A_187 = tpu.memref_slice %arg6[%dma_start3A_176, %dma_start3A_185, %dma_start3A_186] : memref<2x128x128xf32, #tpu.memory_space<vmem>> -> memref<1x128x128xf32, #tpu.memory_space<vmem>>
    %dma_start3A_188 = tpu.memref_squeeze %dma_start3A_187 : memref<1x128x128xf32, #tpu.memory_space<vmem>> -> memref<128x128xf32, #tpu.memory_space<vmem>>
    tpu.enqueue_dma source(%dma_start3A_188 : memref<128x128xf32, #tpu.memory_space<vmem>>) target(%dma_start3A_184 : memref<128x128xf32, #tpu.memory_space<hbm>>) target_semaphore(%arg8 : memref<!tpu.dma_semaphore, #tpu.memory_space<semaphore_mem>>)
    %add3A_189 = arith.constant 256 : i32
    %add3A_190 = arith.addi %mul3A_2, %add3A_189 : i32
    %dma_wait3A_191 = arith.constant 0 : i32
    %dma_wait3A_192 = arith.constant 0 : i32
    %dma_wait3A_193 = arith.constant 0 : i32
    %dma_wait3A_194 = tpu.memref_slice %arg6[%dma_wait3A_191, %dma_wait3A_192, %dma_wait3A_193] : memref<2x128x128xf32, #tpu.memory_space<vmem>> -> memref<1x128x128xf32, #tpu.memory_space<vmem>>
    %dma_wait3A_195 = tpu.memref_squeeze %dma_wait3A_194 : memref<1x128x128xf32, #tpu.memory_space<vmem>> -> memref<128x128xf32, #tpu.memory_space<vmem>>
    %dma_wait3A_196 = arith.constant 0 : i32
    %dma_wait3A_197 = tpu.memref_slice %arg4[%add3A_190, %dma_wait3A_196] : memref<16384x128xf32, #tpu.memory_space<hbm>> -> memref<128x128xf32, #tpu.memory_space<hbm>>
    %dma_wait3A_198 = arith.constant 0 : i32
    %dma_wait3A_199 = tpu.memref_slice %arg4[%add3A_190, %dma_wait3A_198] : memref<16384x128xf32, #tpu.memory_space<hbm>> -> memref<128x128xf32, #tpu.memory_space<hbm>>
    %dma_wait3A_200 = arith.constant 0 : i32
    %dma_wait3A_201 = arith.constant 0 : i32
    %dma_wait3A_202 = tpu.memref_slice %arg6[%dma_wait3A_191, %dma_wait3A_200, %dma_wait3A_201] : memref<2x128x128xf32, #tpu.memory_space<vmem>> -> memref<1x128x128xf32, #tpu.memory_space<vmem>>
    %dma_wait3A_203 = tpu.memref_squeeze %dma_wait3A_202 : memref<1x128x128xf32, #tpu.memory_space<vmem>> -> memref<128x128xf32, #tpu.memory_space<vmem>>
    tpu.wait_dma2 semaphore(%arg8 : memref<!tpu.dma_semaphore, #tpu.memory_space<semaphore_mem>>) src(%dma_wait3A_203 : memref<128x128xf32, #tpu.memory_space<vmem>>) dst(%dma_wait3A_199 : memref<128x128xf32, #tpu.memory_space<hbm>>)
    %add3A_204 = arith.constant 384 : i32
    %add3A_205 = arith.addi %mul3A_2, %add3A_204 : i32
    %dma_wait3A_206 = arith.constant 1 : i32
    %dma_wait3A_207 = arith.constant 0 : i32
    %dma_wait3A_208 = arith.constant 0 : i32
    %dma_wait3A_209 = tpu.memref_slice %arg6[%dma_wait3A_206, %dma_wait3A_207, %dma_wait3A_208] : memref<2x128x128xf32, #tpu.memory_space<vmem>> -> memref<1x128x128xf32, #tpu.memory_space<vmem>>
    %dma_wait3A_210 = tpu.memref_squeeze %dma_wait3A_209 : memref<1x128x128xf32, #tpu.memory_space<vmem>> -> memref<128x128xf32, #tpu.memory_space<vmem>>
    %dma_wait3A_211 = arith.constant 0 : i32
    %dma_wait3A_212 = tpu.memref_slice %arg4[%add3A_205, %dma_wait3A_211] : memref<16384x128xf32, #tpu.memory_space<hbm>> -> memref<128x128xf32, #tpu.memory_space<hbm>>
    %dma_wait3A_213 = arith.constant 0 : i32
    %dma_wait3A_214 = tpu.memref_slice %arg4[%add3A_205, %dma_wait3A_213] : memref<16384x128xf32, #tpu.memory_space<hbm>> -> memref<128x128xf32, #tpu.memory_space<hbm>>
    %dma_wait3A_215 = arith.constant 0 : i32
    %dma_wait3A_216 = arith.constant 0 : i32
    %dma_wait3A_217 = tpu.memref_slice %arg6[%dma_wait3A_206, %dma_wait3A_215, %dma_wait3A_216] : memref<2x128x128xf32, #tpu.memory_space<vmem>> -> memref<1x128x128xf32, #tpu.memory_space<vmem>>
    %dma_wait3A_218 = tpu.memref_squeeze %dma_wait3A_217 : memref<1x128x128xf32, #tpu.memory_space<vmem>> -> memref<128x128xf32, #tpu.memory_space<vmem>>
    tpu.wait_dma2 semaphore(%arg8 : memref<!tpu.dma_semaphore, #tpu.memory_space<semaphore_mem>>) src(%dma_wait3A_218 : memref<128x128xf32, #tpu.memory_space<vmem>>) dst(%dma_wait3A_214 : memref<128x128xf32, #tpu.memory_space<hbm>>)
    return
  }
}

#map = affine_map<(d0, d1) -> (0, 0)>
module attributes {stable_mosaic.version = 14 : i64} {
  func.func @_gather_rows(%arg0: i32, %arg1: i32, %arg2: memref<100000x128xf32, #tpu.memory_space<hbm>>, %arg3: memref<128x128xi32, #tpu.memory_space<hbm>>, %arg4: memref<16384x128xf32, #tpu.memory_space<hbm>>, %arg5: memref<4x128xi32, #tpu.memory_space<vmem>>, %arg6: memref<2x128x128xf32, #tpu.memory_space<vmem>>, %arg7: memref<!tpu.dma_semaphore, #tpu.memory_space<semaphore_mem>>, %arg8: memref<!tpu.dma_semaphore, #tpu.memory_space<semaphore_mem>>) attributes {dimension_semantics = [#tpu.dimension_semantics<core_parallel>, #tpu.dimension_semantics<subcore_parallel>], iteration_bounds = array<i64: 2, 16>, scalar_prefetch = 0 : i64, scratch_operands = 4 : i64, tpu.core_type = #tpu.core_type<sc_vector_subcore>, window_params = [{transform_indices = #map}, {transform_indices = #map}, {transform_indices = #map}]} {
    %mul3A = arith.constant 2 : i32
    %mul3A_0 = arith.muli %arg1, %mul3A : i32
    %add3A = arith.addi %mul3A_0, %arg0 : i32
    %mul3A_1 = arith.constant 512 : i32
    %mul3A_2 = arith.muli %add3A, %mul3A_1 : i32
    %mul3A_3 = arith.constant 4 : i32
    %mul3A_4 = arith.muli %add3A, %mul3A_3 : i32
    "tpu.region"() ({
      %run_scoped3A = tpu.sem_alloc : memref<!tpu.dma_semaphore, #tpu.memory_space<semaphore_mem>>
      %dma_start3A_219 = arith.constant 0 : i32
      %dma_start3A_220 = tpu.memref_slice %arg3[%mul3A_4, %dma_start3A_219] : memref<128x128xi32, #tpu.memory_space<hbm>> -> memref<4x128xi32, #tpu.memory_space<hbm>>
      %dma_start3A_221 = arith.constant 0 : i32
      %dma_start3A_222 = tpu.memref_slice %arg3[%mul3A_4, %dma_start3A_221] : memref<128x128xi32, #tpu.memory_space<hbm>> -> memref<4x128xi32, #tpu.memory_space<hbm>>
      tpu.enqueue_dma source(%dma_start3A_222 : memref<4x128xi32, #tpu.memory_space<hbm>>) target(%arg5 : memref<4x128xi32, #tpu.memory_space<vmem>>) target_semaphore(%run_scoped3A : memref<!tpu.dma_semaphore, #tpu.memory_space<semaphore_mem>>)
      %dma_wait3A_223 = arith.constant 0 : i32
      %dma_wait3A_224 = tpu.memref_slice %arg3[%mul3A_4, %dma_wait3A_223] : memref<128x128xi32, #tpu.memory_space<hbm>> -> memref<4x128xi32, #tpu.memory_space<hbm>>
      %dma_wait3A_225 = arith.constant 0 : i32
      %dma_wait3A_226 = tpu.memref_slice %arg3[%mul3A_4, %dma_wait3A_225] : memref<128x128xi32, #tpu.memory_space<hbm>> -> memref<4x128xi32, #tpu.memory_space<hbm>>
      tpu.wait_dma2 semaphore(%run_scoped3A : memref<!tpu.dma_semaphore, #tpu.memory_space<semaphore_mem>>) src(%dma_wait3A_226 : memref<4x128xi32, #tpu.memory_space<hbm>>) dst(%arg5 : memref<4x128xi32, #tpu.memory_space<vmem>>)
      tpu.yield
    }) : () -> ()
    %dma_start3A = arith.constant 0 : i32
    %dma_start3A_5 = arith.constant 0 : i32
    %dma_start3A_6 = arith.constant 0 : i32
    %dma_start3A_7 = arith.constant 0 : i32
    %dma_start3A_8 = tpu.memref_slice %arg6[%dma_start3A_5, %dma_start3A_6, %dma_start3A_7] : memref<2x128x128xf32, #tpu.memory_space<vmem>> -> memref<1x128x128xf32, #tpu.memory_space<vmem>>
    %dma_start3A_9 = tpu.memref_squeeze %dma_start3A_8 : memref<1x128x128xf32, #tpu.memory_space<vmem>> -> memref<128x128xf32, #tpu.memory_space<vmem>>
    %dma_start3A_10 = arith.constant 0 : i32
    %dma_start3A_11 = tpu.memref_slice %arg5[%dma_start3A, %dma_start3A_10] : memref<4x128xi32, #tpu.memory_space<vmem>> -> memref<1x128xi32, #tpu.memory_space<vmem>>
    %dma_start3A_12 = tpu.memref_squeeze %dma_start3A_11 : memref<1x128xi32, #tpu.memory_space<vmem>> -> memref<128xi32, #tpu.memory_space<vmem>>
    %dma_start3A_13 = arith.constant 0 : i32
    %dma_start3A_14 = arith.constant 0 : i32
    %dma_start3A_15 = tpu.memref_slice %arg2[%dma_start3A_13, %dma_start3A_14] : memref<100000x128xf32, #tpu.memory_space<hbm>> -> memref<100000x128xf32, #tpu.memory_space<hbm>>
    tpu.enqueue_indirect_dma source(%dma_start3A_15 : memref<100000x128xf32, #tpu.memory_space<hbm>>) target(%dma_start3A_9 : memref<128x128xf32, #tpu.memory_space<vmem>>) offsets(%dma_start3A_12 : memref<128xi32, #tpu.memory_space<vmem>>) semaphore(%arg7 : memref<!tpu.dma_semaphore, #tpu.memory_space<semaphore_mem>>)
    %dma_wait3A = arith.constant 0 : i32
    %dma_wait3A_16 = arith.constant 0 : i32
    %dma_wait3A_17 = arith.constant 0 : i32
    %dma_wait3A_18 = arith.constant 0 : i32
    %dma_wait3A_19 = tpu.memref_slice %arg6[%dma_wait3A_16, %dma_wait3A_17, %dma_wait3A_18] : memref<2x128x128xf32, #tpu.memory_space<vmem>> -> memref<1x128x128xf32, #tpu.memory_space<vmem>>
    %dma_wait3A_20 = tpu.memref_squeeze %dma_wait3A_19 : memref<1x128x128xf32, #tpu.memory_space<vmem>> -> memref<128x128xf32, #tpu.memory_space<vmem>>
    %dma_wait3A_21 = arith.constant 0 : i32
    %dma_wait3A_22 = tpu.memref_slice %arg5[%dma_wait3A, %dma_wait3A_21] : memref<4x128xi32, #tpu.memory_space<vmem>> -> memref<1x128xi32, #tpu.memory_space<vmem>>
    %dma_wait3A_23 = tpu.memref_squeeze %dma_wait3A_22 : memref<1x128xi32, #tpu.memory_space<vmem>> -> memref<128xi32, #tpu.memory_space<vmem>>
    %dma_wait3A_24 = arith.constant 0 : i32
    %dma_wait3A_25 = arith.constant 0 : i32
    %dma_wait3A_26 = tpu.memref_slice %arg2[%dma_wait3A_24, %dma_wait3A_25] : memref<100000x128xf32, #tpu.memory_space<hbm>> -> memref<100000x128xf32, #tpu.memory_space<hbm>>
    tpu.wait_indirect_dma semaphore(%arg7 : memref<!tpu.dma_semaphore, #tpu.memory_space<semaphore_mem>>) src(%dma_wait3A_26 : memref<100000x128xf32, #tpu.memory_space<hbm>>) dst(%dma_wait3A_20 : memref<128x128xf32, #tpu.memory_space<vmem>>)
    %dma_start3A_27 = arith.constant 1 : i32
    %dma_start3A_28 = arith.constant 1 : i32
    %dma_start3A_29 = arith.constant 0 : i32
    %dma_start3A_30 = arith.constant 0 : i32
    %dma_start3A_31 = tpu.memref_slice %arg6[%dma_start3A_28, %dma_start3A_29, %dma_start3A_30] : memref<2x128x128xf32, #tpu.memory_space<vmem>> -> memref<1x128x128xf32, #tpu.memory_space<vmem>>
    %dma_start3A_32 = tpu.memref_squeeze %dma_start3A_31 : memref<1x128x128xf32, #tpu.memory_space<vmem>> -> memref<128x128xf32, #tpu.memory_space<vmem>>
    %dma_start3A_33 = arith.constant 0 : i32
    %dma_start3A_34 = tpu.memref_slice %arg5[%dma_start3A_27, %dma_start3A_33] : memref<4x128xi32, #tpu.memory_space<vmem>> -> memref<1x128xi32, #tpu.memory_space<vmem>>
    %dma_start3A_35 = tpu.memref_squeeze %dma_start3A_34 : memref<1x128xi32, #tpu.memory_space<vmem>> -> memref<128xi32, #tpu.memory_space<vmem>>
    %dma_start3A_36 = arith.constant 0 : i32
    %dma_start3A_37 = arith.constant 0 : i32
    %dma_start3A_38 = tpu.memref_slice %arg2[%dma_start3A_36, %dma_start3A_37] : memref<100000x128xf32, #tpu.memory_space<hbm>> -> memref<100000x128xf32, #tpu.memory_space<hbm>>
    tpu.enqueue_indirect_dma source(%dma_start3A_38 : memref<100000x128xf32, #tpu.memory_space<hbm>>) target(%dma_start3A_32 : memref<128x128xf32, #tpu.memory_space<vmem>>) offsets(%dma_start3A_35 : memref<128xi32, #tpu.memory_space<vmem>>) semaphore(%arg7 : memref<!tpu.dma_semaphore, #tpu.memory_space<semaphore_mem>>)
    %add3A_39 = arith.constant 0 : i32
    %add3A_40 = arith.addi %mul3A_2, %add3A_39 : i32
    %dma_start3A_41 = arith.constant 0 : i32
    %dma_start3A_42 = arith.constant 0 : i32
    %dma_start3A_43 = arith.constant 0 : i32
    %dma_start3A_44 = tpu.memref_slice %arg6[%dma_start3A_41, %dma_start3A_42, %dma_start3A_43] : memref<2x128x128xf32, #tpu.memory_space<vmem>> -> memref<1x128x128xf32, #tpu.memory_space<vmem>>
    %dma_start3A_45 = tpu.memref_squeeze %dma_start3A_44 : memref<1x128x128xf32, #tpu.memory_space<vmem>> -> memref<128x128xf32, #tpu.memory_space<vmem>>
    %dma_start3A_46 = arith.constant 0 : i32
    %dma_start3A_47 = tpu.memref_slice %arg4[%add3A_40, %dma_start3A_46] : memref<16384x128xf32, #tpu.memory_space<hbm>> -> memref<128x128xf32, #tpu.memory_space<hbm>>
    %dma_start3A_48 = arith.constant 0 : i32
    %dma_start3A_49 = tpu.memref_slice %arg4[%add3A_40, %dma_start3A_48] : memref<16384x128xf32, #tpu.memory_space<hbm>> -> memref<128x128xf32, #tpu.memory_space<hbm>>
    %dma_start3A_50 = arith.constant 0 : i32
    %dma_start3A_51 = arith.constant 0 : i32
    %dma_start3A_52 = tpu.memref_slice %arg6[%dma_start3A_41, %dma_start3A_50, %dma_start3A_51] : memref<2x128x128xf32, #tpu.memory_space<vmem>> -> memref<1x128x128xf32, #tpu.memory_space<vmem>>
    %dma_start3A_53 = tpu.memref_squeeze %dma_start3A_52 : memref<1x128x128xf32, #tpu.memory_space<vmem>> -> memref<128x128xf32, #tpu.memory_space<vmem>>
    tpu.enqueue_dma source(%dma_start3A_53 : memref<128x128xf32, #tpu.memory_space<vmem>>) target(%dma_start3A_49 : memref<128x128xf32, #tpu.memory_space<hbm>>) target_semaphore(%arg8 : memref<!tpu.dma_semaphore, #tpu.memory_space<semaphore_mem>>)
    %dma_wait3A_54 = arith.constant 1 : i32
    %dma_wait3A_55 = arith.constant 1 : i32
    %dma_wait3A_56 = arith.constant 0 : i32
    %dma_wait3A_57 = arith.constant 0 : i32
    %dma_wait3A_58 = tpu.memref_slice %arg6[%dma_wait3A_55, %dma_wait3A_56, %dma_wait3A_57] : memref<2x128x128xf32, #tpu.memory_space<vmem>> -> memref<1x128x128xf32, #tpu.memory_space<vmem>>
    %dma_wait3A_59 = tpu.memref_squeeze %dma_wait3A_58 : memref<1x128x128xf32, #tpu.memory_space<vmem>> -> memref<128x128xf32, #tpu.memory_space<vmem>>
    %dma_wait3A_60 = arith.constant 0 : i32
    %dma_wait3A_61 = tpu.memref_slice %arg5[%dma_wait3A_54, %dma_wait3A_60] : memref<4x128xi32, #tpu.memory_space<vmem>> -> memref<1x128xi32, #tpu.memory_space<vmem>>
    %dma_wait3A_62 = tpu.memref_squeeze %dma_wait3A_61 : memref<1x128xi32, #tpu.memory_space<vmem>> -> memref<128xi32, #tpu.memory_space<vmem>>
    %dma_wait3A_63 = arith.constant 0 : i32
    %dma_wait3A_64 = arith.constant 0 : i32
    %dma_wait3A_65 = tpu.memref_slice %arg2[%dma_wait3A_63, %dma_wait3A_64] : memref<100000x128xf32, #tpu.memory_space<hbm>> -> memref<100000x128xf32, #tpu.memory_space<hbm>>
    tpu.wait_indirect_dma semaphore(%arg7 : memref<!tpu.dma_semaphore, #tpu.memory_space<semaphore_mem>>) src(%dma_wait3A_65 : memref<100000x128xf32, #tpu.memory_space<hbm>>) dst(%dma_wait3A_59 : memref<128x128xf32, #tpu.memory_space<vmem>>)
    %add3A_66 = arith.constant 0 : i32
    %add3A_67 = arith.addi %mul3A_2, %add3A_66 : i32
    %dma_wait3A_68 = arith.constant 0 : i32
    %dma_wait3A_69 = arith.constant 0 : i32
    %dma_wait3A_70 = arith.constant 0 : i32
    %dma_wait3A_71 = tpu.memref_slice %arg6[%dma_wait3A_68, %dma_wait3A_69, %dma_wait3A_70] : memref<2x128x128xf32, #tpu.memory_space<vmem>> -> memref<1x128x128xf32, #tpu.memory_space<vmem>>
    %dma_wait3A_72 = tpu.memref_squeeze %dma_wait3A_71 : memref<1x128x128xf32, #tpu.memory_space<vmem>> -> memref<128x128xf32, #tpu.memory_space<vmem>>
    %dma_wait3A_73 = arith.constant 0 : i32
    %dma_wait3A_74 = tpu.memref_slice %arg4[%add3A_67, %dma_wait3A_73] : memref<16384x128xf32, #tpu.memory_space<hbm>> -> memref<128x128xf32, #tpu.memory_space<hbm>>
    %dma_wait3A_75 = arith.constant 0 : i32
    %dma_wait3A_76 = tpu.memref_slice %arg4[%add3A_67, %dma_wait3A_75] : memref<16384x128xf32, #tpu.memory_space<hbm>> -> memref<128x128xf32, #tpu.memory_space<hbm>>
    %dma_wait3A_77 = arith.constant 0 : i32
    %dma_wait3A_78 = arith.constant 0 : i32
    %dma_wait3A_79 = tpu.memref_slice %arg6[%dma_wait3A_68, %dma_wait3A_77, %dma_wait3A_78] : memref<2x128x128xf32, #tpu.memory_space<vmem>> -> memref<1x128x128xf32, #tpu.memory_space<vmem>>
    %dma_wait3A_80 = tpu.memref_squeeze %dma_wait3A_79 : memref<1x128x128xf32, #tpu.memory_space<vmem>> -> memref<128x128xf32, #tpu.memory_space<vmem>>
    tpu.wait_dma2 semaphore(%arg8 : memref<!tpu.dma_semaphore, #tpu.memory_space<semaphore_mem>>) src(%dma_wait3A_80 : memref<128x128xf32, #tpu.memory_space<vmem>>) dst(%dma_wait3A_76 : memref<128x128xf32, #tpu.memory_space<hbm>>)
    %dma_start3A_81 = arith.constant 2 : i32
    %dma_start3A_82 = arith.constant 0 : i32
    %dma_start3A_83 = arith.constant 0 : i32
    %dma_start3A_84 = arith.constant 0 : i32
    %dma_start3A_85 = tpu.memref_slice %arg6[%dma_start3A_82, %dma_start3A_83, %dma_start3A_84] : memref<2x128x128xf32, #tpu.memory_space<vmem>> -> memref<1x128x128xf32, #tpu.memory_space<vmem>>
    %dma_start3A_86 = tpu.memref_squeeze %dma_start3A_85 : memref<1x128x128xf32, #tpu.memory_space<vmem>> -> memref<128x128xf32, #tpu.memory_space<vmem>>
    %dma_start3A_87 = arith.constant 0 : i32
    %dma_start3A_88 = tpu.memref_slice %arg5[%dma_start3A_81, %dma_start3A_87] : memref<4x128xi32, #tpu.memory_space<vmem>> -> memref<1x128xi32, #tpu.memory_space<vmem>>
    %dma_start3A_89 = tpu.memref_squeeze %dma_start3A_88 : memref<1x128xi32, #tpu.memory_space<vmem>> -> memref<128xi32, #tpu.memory_space<vmem>>
    %dma_start3A_90 = arith.constant 0 : i32
    %dma_start3A_91 = arith.constant 0 : i32
    %dma_start3A_92 = tpu.memref_slice %arg2[%dma_start3A_90, %dma_start3A_91] : memref<100000x128xf32, #tpu.memory_space<hbm>> -> memref<100000x128xf32, #tpu.memory_space<hbm>>
    tpu.enqueue_indirect_dma source(%dma_start3A_92 : memref<100000x128xf32, #tpu.memory_space<hbm>>) target(%dma_start3A_86 : memref<128x128xf32, #tpu.memory_space<vmem>>) offsets(%dma_start3A_89 : memref<128xi32, #tpu.memory_space<vmem>>) semaphore(%arg7 : memref<!tpu.dma_semaphore, #tpu.memory_space<semaphore_mem>>)
    %add3A_93 = arith.constant 128 : i32
    %add3A_94 = arith.addi %mul3A_2, %add3A_93 : i32
    %dma_start3A_95 = arith.constant 1 : i32
    %dma_start3A_96 = arith.constant 0 : i32
    %dma_start3A_97 = arith.constant 0 : i32
    %dma_start3A_98 = tpu.memref_slice %arg6[%dma_start3A_95, %dma_start3A_96, %dma_start3A_97] : memref<2x128x128xf32, #tpu.memory_space<vmem>> -> memref<1x128x128xf32, #tpu.memory_space<vmem>>
    %dma_start3A_99 = tpu.memref_squeeze %dma_start3A_98 : memref<1x128x128xf32, #tpu.memory_space<vmem>> -> memref<128x128xf32, #tpu.memory_space<vmem>>
    %dma_start3A_100 = arith.constant 0 : i32
    %dma_start3A_101 = tpu.memref_slice %arg4[%add3A_94, %dma_start3A_100] : memref<16384x128xf32, #tpu.memory_space<hbm>> -> memref<128x128xf32, #tpu.memory_space<hbm>>
    %dma_start3A_102 = arith.constant 0 : i32
    %dma_start3A_103 = tpu.memref_slice %arg4[%add3A_94, %dma_start3A_102] : memref<16384x128xf32, #tpu.memory_space<hbm>> -> memref<128x128xf32, #tpu.memory_space<hbm>>
    %dma_start3A_104 = arith.constant 0 : i32
    %dma_start3A_105 = arith.constant 0 : i32
    %dma_start3A_106 = tpu.memref_slice %arg6[%dma_start3A_95, %dma_start3A_104, %dma_start3A_105] : memref<2x128x128xf32, #tpu.memory_space<vmem>> -> memref<1x128x128xf32, #tpu.memory_space<vmem>>
    %dma_start3A_107 = tpu.memref_squeeze %dma_start3A_106 : memref<1x128x128xf32, #tpu.memory_space<vmem>> -> memref<128x128xf32, #tpu.memory_space<vmem>>
    tpu.enqueue_dma source(%dma_start3A_107 : memref<128x128xf32, #tpu.memory_space<vmem>>) target(%dma_start3A_103 : memref<128x128xf32, #tpu.memory_space<hbm>>) target_semaphore(%arg8 : memref<!tpu.dma_semaphore, #tpu.memory_space<semaphore_mem>>)
    %dma_wait3A_108 = arith.constant 2 : i32
    %dma_wait3A_109 = arith.constant 0 : i32
    %dma_wait3A_110 = arith.constant 0 : i32
    %dma_wait3A_111 = arith.constant 0 : i32
    %dma_wait3A_112 = tpu.memref_slice %arg6[%dma_wait3A_109, %dma_wait3A_110, %dma_wait3A_111] : memref<2x128x128xf32, #tpu.memory_space<vmem>> -> memref<1x128x128xf32, #tpu.memory_space<vmem>>
    %dma_wait3A_113 = tpu.memref_squeeze %dma_wait3A_112 : memref<1x128x128xf32, #tpu.memory_space<vmem>> -> memref<128x128xf32, #tpu.memory_space<vmem>>
    %dma_wait3A_114 = arith.constant 0 : i32
    %dma_wait3A_115 = tpu.memref_slice %arg5[%dma_wait3A_108, %dma_wait3A_114] : memref<4x128xi32, #tpu.memory_space<vmem>> -> memref<1x128xi32, #tpu.memory_space<vmem>>
    %dma_wait3A_116 = tpu.memref_squeeze %dma_wait3A_115 : memref<1x128xi32, #tpu.memory_space<vmem>> -> memref<128xi32, #tpu.memory_space<vmem>>
    %dma_wait3A_117 = arith.constant 0 : i32
    %dma_wait3A_118 = arith.constant 0 : i32
    %dma_wait3A_119 = tpu.memref_slice %arg2[%dma_wait3A_117, %dma_wait3A_118] : memref<100000x128xf32, #tpu.memory_space<hbm>> -> memref<100000x128xf32, #tpu.memory_space<hbm>>
    tpu.wait_indirect_dma semaphore(%arg7 : memref<!tpu.dma_semaphore, #tpu.memory_space<semaphore_mem>>) src(%dma_wait3A_119 : memref<100000x128xf32, #tpu.memory_space<hbm>>) dst(%dma_wait3A_113 : memref<128x128xf32, #tpu.memory_space<vmem>>)
    %add3A_120 = arith.constant 128 : i32
    %add3A_121 = arith.addi %mul3A_2, %add3A_120 : i32
    %dma_wait3A_122 = arith.constant 1 : i32
    %dma_wait3A_123 = arith.constant 0 : i32
    %dma_wait3A_124 = arith.constant 0 : i32
    %dma_wait3A_125 = tpu.memref_slice %arg6[%dma_wait3A_122, %dma_wait3A_123, %dma_wait3A_124] : memref<2x128x128xf32, #tpu.memory_space<vmem>> -> memref<1x128x128xf32, #tpu.memory_space<vmem>>
    %dma_wait3A_126 = tpu.memref_squeeze %dma_wait3A_125 : memref<1x128x128xf32, #tpu.memory_space<vmem>> -> memref<128x128xf32, #tpu.memory_space<vmem>>
    %dma_wait3A_127 = arith.constant 0 : i32
    %dma_wait3A_128 = tpu.memref_slice %arg4[%add3A_121, %dma_wait3A_127] : memref<16384x128xf32, #tpu.memory_space<hbm>> -> memref<128x128xf32, #tpu.memory_space<hbm>>
    %dma_wait3A_129 = arith.constant 0 : i32
    %dma_wait3A_130 = tpu.memref_slice %arg4[%add3A_121, %dma_wait3A_129] : memref<16384x128xf32, #tpu.memory_space<hbm>> -> memref<128x128xf32, #tpu.memory_space<hbm>>
    %dma_wait3A_131 = arith.constant 0 : i32
    %dma_wait3A_132 = arith.constant 0 : i32
    %dma_wait3A_133 = tpu.memref_slice %arg6[%dma_wait3A_122, %dma_wait3A_131, %dma_wait3A_132] : memref<2x128x128xf32, #tpu.memory_space<vmem>> -> memref<1x128x128xf32, #tpu.memory_space<vmem>>
    %dma_wait3A_134 = tpu.memref_squeeze %dma_wait3A_133 : memref<1x128x128xf32, #tpu.memory_space<vmem>> -> memref<128x128xf32, #tpu.memory_space<vmem>>
    tpu.wait_dma2 semaphore(%arg8 : memref<!tpu.dma_semaphore, #tpu.memory_space<semaphore_mem>>) src(%dma_wait3A_134 : memref<128x128xf32, #tpu.memory_space<vmem>>) dst(%dma_wait3A_130 : memref<128x128xf32, #tpu.memory_space<hbm>>)
    %dma_start3A_135 = arith.constant 3 : i32
    %dma_start3A_136 = arith.constant 1 : i32
    %dma_start3A_137 = arith.constant 0 : i32
    %dma_start3A_138 = arith.constant 0 : i32
    %dma_start3A_139 = tpu.memref_slice %arg6[%dma_start3A_136, %dma_start3A_137, %dma_start3A_138] : memref<2x128x128xf32, #tpu.memory_space<vmem>> -> memref<1x128x128xf32, #tpu.memory_space<vmem>>
    %dma_start3A_140 = tpu.memref_squeeze %dma_start3A_139 : memref<1x128x128xf32, #tpu.memory_space<vmem>> -> memref<128x128xf32, #tpu.memory_space<vmem>>
    %dma_start3A_141 = arith.constant 0 : i32
    %dma_start3A_142 = tpu.memref_slice %arg5[%dma_start3A_135, %dma_start3A_141] : memref<4x128xi32, #tpu.memory_space<vmem>> -> memref<1x128xi32, #tpu.memory_space<vmem>>
    %dma_start3A_143 = tpu.memref_squeeze %dma_start3A_142 : memref<1x128xi32, #tpu.memory_space<vmem>> -> memref<128xi32, #tpu.memory_space<vmem>>
    %dma_start3A_144 = arith.constant 0 : i32
    %dma_start3A_145 = arith.constant 0 : i32
    %dma_start3A_146 = tpu.memref_slice %arg2[%dma_start3A_144, %dma_start3A_145] : memref<100000x128xf32, #tpu.memory_space<hbm>> -> memref<100000x128xf32, #tpu.memory_space<hbm>>
    tpu.enqueue_indirect_dma source(%dma_start3A_146 : memref<100000x128xf32, #tpu.memory_space<hbm>>) target(%dma_start3A_140 : memref<128x128xf32, #tpu.memory_space<vmem>>) offsets(%dma_start3A_143 : memref<128xi32, #tpu.memory_space<vmem>>) semaphore(%arg7 : memref<!tpu.dma_semaphore, #tpu.memory_space<semaphore_mem>>)
    %add3A_147 = arith.constant 256 : i32
    %add3A_148 = arith.addi %mul3A_2, %add3A_147 : i32
    %dma_start3A_149 = arith.constant 0 : i32
    %dma_start3A_150 = arith.constant 0 : i32
    %dma_start3A_151 = arith.constant 0 : i32
    %dma_start3A_152 = tpu.memref_slice %arg6[%dma_start3A_149, %dma_start3A_150, %dma_start3A_151] : memref<2x128x128xf32, #tpu.memory_space<vmem>> -> memref<1x128x128xf32, #tpu.memory_space<vmem>>
    %dma_start3A_153 = tpu.memref_squeeze %dma_start3A_152 : memref<1x128x128xf32, #tpu.memory_space<vmem>> -> memref<128x128xf32, #tpu.memory_space<vmem>>
    %dma_start3A_154 = arith.constant 0 : i32
    %dma_start3A_155 = tpu.memref_slice %arg4[%add3A_148, %dma_start3A_154] : memref<16384x128xf32, #tpu.memory_space<hbm>> -> memref<128x128xf32, #tpu.memory_space<hbm>>
    %dma_start3A_156 = arith.constant 0 : i32
    %dma_start3A_157 = tpu.memref_slice %arg4[%add3A_148, %dma_start3A_156] : memref<16384x128xf32, #tpu.memory_space<hbm>> -> memref<128x128xf32, #tpu.memory_space<hbm>>
    %dma_start3A_158 = arith.constant 0 : i32
    %dma_start3A_159 = arith.constant 0 : i32
    %dma_start3A_160 = tpu.memref_slice %arg6[%dma_start3A_149, %dma_start3A_158, %dma_start3A_159] : memref<2x128x128xf32, #tpu.memory_space<vmem>> -> memref<1x128x128xf32, #tpu.memory_space<vmem>>
    %dma_start3A_161 = tpu.memref_squeeze %dma_start3A_160 : memref<1x128x128xf32, #tpu.memory_space<vmem>> -> memref<128x128xf32, #tpu.memory_space<vmem>>
    tpu.enqueue_dma source(%dma_start3A_161 : memref<128x128xf32, #tpu.memory_space<vmem>>) target(%dma_start3A_157 : memref<128x128xf32, #tpu.memory_space<hbm>>) target_semaphore(%arg8 : memref<!tpu.dma_semaphore, #tpu.memory_space<semaphore_mem>>)
    %dma_wait3A_162 = arith.constant 3 : i32
    %dma_wait3A_163 = arith.constant 1 : i32
    %dma_wait3A_164 = arith.constant 0 : i32
    %dma_wait3A_165 = arith.constant 0 : i32
    %dma_wait3A_166 = tpu.memref_slice %arg6[%dma_wait3A_163, %dma_wait3A_164, %dma_wait3A_165] : memref<2x128x128xf32, #tpu.memory_space<vmem>> -> memref<1x128x128xf32, #tpu.memory_space<vmem>>
    %dma_wait3A_167 = tpu.memref_squeeze %dma_wait3A_166 : memref<1x128x128xf32, #tpu.memory_space<vmem>> -> memref<128x128xf32, #tpu.memory_space<vmem>>
    %dma_wait3A_168 = arith.constant 0 : i32
    %dma_wait3A_169 = tpu.memref_slice %arg5[%dma_wait3A_162, %dma_wait3A_168] : memref<4x128xi32, #tpu.memory_space<vmem>> -> memref<1x128xi32, #tpu.memory_space<vmem>>
    %dma_wait3A_170 = tpu.memref_squeeze %dma_wait3A_169 : memref<1x128xi32, #tpu.memory_space<vmem>> -> memref<128xi32, #tpu.memory_space<vmem>>
    %dma_wait3A_171 = arith.constant 0 : i32
    %dma_wait3A_172 = arith.constant 0 : i32
    %dma_wait3A_173 = tpu.memref_slice %arg2[%dma_wait3A_171, %dma_wait3A_172] : memref<100000x128xf32, #tpu.memory_space<hbm>> -> memref<100000x128xf32, #tpu.memory_space<hbm>>
    tpu.wait_indirect_dma semaphore(%arg7 : memref<!tpu.dma_semaphore, #tpu.memory_space<semaphore_mem>>) src(%dma_wait3A_173 : memref<100000x128xf32, #tpu.memory_space<hbm>>) dst(%dma_wait3A_167 : memref<128x128xf32, #tpu.memory_space<vmem>>)
    %add3A_174 = arith.constant 384 : i32
    %add3A_175 = arith.addi %mul3A_2, %add3A_174 : i32
    %dma_start3A_176 = arith.constant 1 : i32
    %dma_start3A_177 = arith.constant 0 : i32
    %dma_start3A_178 = arith.constant 0 : i32
    %dma_start3A_179 = tpu.memref_slice %arg6[%dma_start3A_176, %dma_start3A_177, %dma_start3A_178] : memref<2x128x128xf32, #tpu.memory_space<vmem>> -> memref<1x128x128xf32, #tpu.memory_space<vmem>>
    %dma_start3A_180 = tpu.memref_squeeze %dma_start3A_179 : memref<1x128x128xf32, #tpu.memory_space<vmem>> -> memref<128x128xf32, #tpu.memory_space<vmem>>
    %dma_start3A_181 = arith.constant 0 : i32
    %dma_start3A_182 = tpu.memref_slice %arg4[%add3A_175, %dma_start3A_181] : memref<16384x128xf32, #tpu.memory_space<hbm>> -> memref<128x128xf32, #tpu.memory_space<hbm>>
    %dma_start3A_183 = arith.constant 0 : i32
    %dma_start3A_184 = tpu.memref_slice %arg4[%add3A_175, %dma_start3A_183] : memref<16384x128xf32, #tpu.memory_space<hbm>> -> memref<128x128xf32, #tpu.memory_space<hbm>>
    %dma_start3A_185 = arith.constant 0 : i32
    %dma_start3A_186 = arith.constant 0 : i32
    %dma_start3A_187 = tpu.memref_slice %arg6[%dma_start3A_176, %dma_start3A_185, %dma_start3A_186] : memref<2x128x128xf32, #tpu.memory_space<vmem>> -> memref<1x128x128xf32, #tpu.memory_space<vmem>>
    %dma_start3A_188 = tpu.memref_squeeze %dma_start3A_187 : memref<1x128x128xf32, #tpu.memory_space<vmem>> -> memref<128x128xf32, #tpu.memory_space<vmem>>
    tpu.enqueue_dma source(%dma_start3A_188 : memref<128x128xf32, #tpu.memory_space<vmem>>) target(%dma_start3A_184 : memref<128x128xf32, #tpu.memory_space<hbm>>) target_semaphore(%arg8 : memref<!tpu.dma_semaphore, #tpu.memory_space<semaphore_mem>>)
    %add3A_189 = arith.constant 256 : i32
    %add3A_190 = arith.addi %mul3A_2, %add3A_189 : i32
    %dma_wait3A_191 = arith.constant 0 : i32
    %dma_wait3A_192 = arith.constant 0 : i32
    %dma_wait3A_193 = arith.constant 0 : i32
    %dma_wait3A_194 = tpu.memref_slice %arg6[%dma_wait3A_191, %dma_wait3A_192, %dma_wait3A_193] : memref<2x128x128xf32, #tpu.memory_space<vmem>> -> memref<1x128x128xf32, #tpu.memory_space<vmem>>
    %dma_wait3A_195 = tpu.memref_squeeze %dma_wait3A_194 : memref<1x128x128xf32, #tpu.memory_space<vmem>> -> memref<128x128xf32, #tpu.memory_space<vmem>>
    %dma_wait3A_196 = arith.constant 0 : i32
    %dma_wait3A_197 = tpu.memref_slice %arg4[%add3A_190, %dma_wait3A_196] : memref<16384x128xf32, #tpu.memory_space<hbm>> -> memref<128x128xf32, #tpu.memory_space<hbm>>
    %dma_wait3A_198 = arith.constant 0 : i32
    %dma_wait3A_199 = tpu.memref_slice %arg4[%add3A_190, %dma_wait3A_198] : memref<16384x128xf32, #tpu.memory_space<hbm>> -> memref<128x128xf32, #tpu.memory_space<hbm>>
    %dma_wait3A_200 = arith.constant 0 : i32
    %dma_wait3A_201 = arith.constant 0 : i32
    %dma_wait3A_202 = tpu.memref_slice %arg6[%dma_wait3A_191, %dma_wait3A_200, %dma_wait3A_201] : memref<2x128x128xf32, #tpu.memory_space<vmem>> -> memref<1x128x128xf32, #tpu.memory_space<vmem>>
    %dma_wait3A_203 = tpu.memref_squeeze %dma_wait3A_202 : memref<1x128x128xf32, #tpu.memory_space<vmem>> -> memref<128x128xf32, #tpu.memory_space<vmem>>
    tpu.wait_dma2 semaphore(%arg8 : memref<!tpu.dma_semaphore, #tpu.memory_space<semaphore_mem>>) src(%dma_wait3A_203 : memref<128x128xf32, #tpu.memory_space<vmem>>) dst(%dma_wait3A_199 : memref<128x128xf32, #tpu.memory_space<hbm>>)
    %add3A_204 = arith.constant 384 : i32
    %add3A_205 = arith.addi %mul3A_2, %add3A_204 : i32
    %dma_wait3A_206 = arith.constant 1 : i32
    %dma_wait3A_207 = arith.constant 0 : i32
    %dma_wait3A_208 = arith.constant 0 : i32
    %dma_wait3A_209 = tpu.memref_slice %arg6[%dma_wait3A_206, %dma_wait3A_207, %dma_wait3A_208] : memref<2x128x128xf32, #tpu.memory_space<vmem>> -> memref<1x128x128xf32, #tpu.memory_space<vmem>>
    %dma_wait3A_210 = tpu.memref_squeeze %dma_wait3A_209 : memref<1x128x128xf32, #tpu.memory_space<vmem>> -> memref<128x128xf32, #tpu.memory_space<vmem>>
    %dma_wait3A_211 = arith.constant 0 : i32
    %dma_wait3A_212 = tpu.memref_slice %arg4[%add3A_205, %dma_wait3A_211] : memref<16384x128xf32, #tpu.memory_space<hbm>> -> memref<128x128xf32, #tpu.memory_space<hbm>>
    %dma_wait3A_213 = arith.constant 0 : i32
    %dma_wait3A_214 = tpu.memref_slice %arg4[%add3A_205, %dma_wait3A_213] : memref<16384x128xf32, #tpu.memory_space<hbm>> -> memref<128x128xf32, #tpu.memory_space<hbm>>
    %dma_wait3A_215 = arith.constant 0 : i32
    %dma_wait3A_216 = arith.constant 0 : i32
    %dma_wait3A_217 = tpu.memref_slice %arg6[%dma_wait3A_206, %dma_wait3A_215, %dma_wait3A_216] : memref<2x128x128xf32, #tpu.memory_space<vmem>> -> memref<1x128x128xf32, #tpu.memory_space<vmem>>
    %dma_wait3A_218 = tpu.memref_squeeze %dma_wait3A_217 : memref<1x128x128xf32, #tpu.memory_space<vmem>> -> memref<128x128xf32, #tpu.memory_space<vmem>>
    tpu.wait_dma2 semaphore(%arg8 : memref<!tpu.dma_semaphore, #tpu.memory_space<semaphore_mem>>) src(%dma_wait3A_218 : memref<128x128xf32, #tpu.memory_space<vmem>>) dst(%dma_wait3A_214 : memref<128x128xf32, #tpu.memory_space<hbm>>)
    return
  }
}

module attributes {stable_mosaic.version = 14 : i64} {
  func.func @_pad_body(%arg0: i32, %arg1: memref<100x10240xf32, #tpu.memory_space<vmem>>, %arg2: memref<10240x128xf32, #tpu.memory_space<vmem>>) attributes {dimension_semantics = [#tpu.dimension_semantics<arbitrary>], iteration_bounds = array<i64: 10>, scalar_prefetch = 0 : i64, scratch_operands = 0 : i64, tpu.core_type = #tpu.core_type<tc>, window_params = [{transform_indices = @transform_0, window_bounds = array<i64: 100, 10240>}, {transform_indices = @transform_1, window_bounds = array<i64: 10240, 128>}]} {
    %get3A = arith.constant 0 : index
    %get3A_0 = arith.constant 0 : index
    %get3A_1 = vector.load %arg1[%get3A, %get3A_0] : memref<100x10240xf32, #tpu.memory_space<vmem>>, vector<100x10240xf32>
    %transpose3A = tpu.transpose %get3A_1, [1, 0] : vector<100x10240xf32> -> vector<10240x100xf32>
    %swap3A = arith.constant 0 : index
    %swap3A_2 = arith.constant 0 : index
    %swap3A_3 = vector.load %arg2[%swap3A, %swap3A_2] : memref<10240x128xf32, #tpu.memory_space<vmem>>, vector<10240x100xf32>
    tpu.vector_store %arg2[%swap3A, %swap3A_2], %transpose3A {strides = array<i32>} : memref<10240x128xf32, #tpu.memory_space<vmem>>, vector<10240x100xf32>,
    return
  }
  func.func @transform_0(%arg0: i32) -> (i32, i32) {
    %c0_i32 = arith.constant 0 : i32
    %c0_i32_0 = arith.constant 0 : i32
    return %c0_i32, %arg0 : i32, i32
  }
  func.func @transform_1(%arg0: i32) -> (i32, i32) {
    %c0_i32 = arith.constant 0 : i32
    %c0_i32_0 = arith.constant 0 : i32
    return %arg0, %c0_i32 : i32, i32
  }
}

module attributes {stable_mosaic.version = 14 : i64} {
  func.func @_concat_half_body(%arg0: i32, %arg1: memref<2048x128xf32, #tpu.memory_space<vmem>>, %arg2: memref<2048x128xf32, #tpu.memory_space<vmem>>, %arg3: memref<200x2048xf32, #tpu.memory_space<vmem>>) attributes {dimension_semantics = [#tpu.dimension_semantics<arbitrary>], iteration_bounds = array<i64: 4>, scalar_prefetch = 0 : i64, scratch_operands = 0 : i64, tpu.core_type = #tpu.core_type<tc>, window_params = [{transform_indices = @transform_0, window_bounds = array<i64: 2048, 128>}, {transform_indices = @transform_1, window_bounds = array<i64: 2048, 128>}, {transform_indices = @transform_2, window_bounds = array<i64: 200, 2048>}]} {
    %get3A = arith.constant 0 : index
    %get3A_0 = arith.constant 0 : index
    %get3A_1 = vector.load %arg1[%get3A, %get3A_0] : memref<2048x128xf32, #tpu.memory_space<vmem>>, vector<2048x128xf32>
    %transpose3A = tpu.transpose %get3A_1, [1, 0] : vector<2048x128xf32> -> vector<128x2048xf32>
    %slice3A = vector.extract_strided_slice %transpose3A {offsets = [0, 0], sizes = [100, 2048], strides = [1, 1]} : vector<128x2048xf32> to vector<100x2048xf32>
    %swap3A = arith.constant 0 : index
    %swap3A_2 = arith.constant 0 : index
    %swap3A_3 = vector.load %arg3[%swap3A, %swap3A_2] : memref<200x2048xf32, #tpu.memory_space<vmem>>, vector<100x2048xf32>
    tpu.vector_store %arg3[%swap3A, %swap3A_2], %slice3A {strides = array<i32>} : memref<200x2048xf32, #tpu.memory_space<vmem>>, vector<100x2048xf32>,
    %get3A_4 = arith.constant 0 : index
    %get3A_5 = arith.constant 0 : index
    %get3A_6 = vector.load %arg2[%get3A_4, %get3A_5] : memref<2048x128xf32, #tpu.memory_space<vmem>>, vector<2048x128xf32>
    %transpose3A_7 = tpu.transpose %get3A_6, [1, 0] : vector<2048x128xf32> -> vector<128x2048xf32>
    %slice3A_8 = vector.extract_strided_slice %transpose3A_7 {offsets = [0, 0], sizes = [100, 2048], strides = [1, 1]} : vector<128x2048xf32> to vector<100x2048xf32>
    %swap3A_9 = arith.constant 100 : index
    %swap3A_10 = arith.constant 0 : index
    %swap3A_11 = vector.load %arg3[%swap3A_9, %swap3A_10] : memref<200x2048xf32, #tpu.memory_space<vmem>>, vector<100x2048xf32>
    tpu.vector_store %arg3[%swap3A_9, %swap3A_10], %slice3A_8 {strides = array<i32>} : memref<200x2048xf32, #tpu.memory_space<vmem>>, vector<100x2048xf32>,
    return
  }
  func.func @transform_0(%arg0: i32) -> (i32, i32) {
    %c0_i32 = arith.constant 0 : i32
    %c0_i32_0 = arith.constant 0 : i32
    return %arg0, %c0_i32 : i32, i32
  }
  func.func @transform_1(%arg0: i32) -> (i32, i32) {
    %add3A = arith.constant 4 : i32
    %add3A_0 = arith.addi %arg0, %add3A : i32
    %c0_i32 = arith.constant 0 : i32
    %c0_i32_1 = arith.constant 0 : i32
    return %add3A_0, %c0_i32 : i32, i32
  }
  func.func @transform_2(%arg0: i32) -> (i32, i32) {
    %c0_i32 = arith.constant 0 : i32
    %c0_i32_0 = arith.constant 0 : i32
    return %c0_i32, %arg0 : i32, i32
  }
}

module attributes {stable_mosaic.version = 14 : i64} {
  func.func @_concat_b_body(%arg0: i32, %arg1: memref<2048x128xf32, #tpu.memory_space<vmem>>, %arg2: memref<2048x128xf32, #tpu.memory_space<vmem>>, %arg3: memref<200x16384xf32, #tpu.memory_space<any>>, %arg4: memref<200x2048xf32, #tpu.memory_space<vmem>>) attributes {dimension_semantics = [#tpu.dimension_semantics<arbitrary>], iteration_bounds = array<i64: 4>, scalar_prefetch = 0 : i64, scratch_operands = 0 : i64, tpu.core_type = #tpu.core_type<tc>, window_params = [{transform_indices = @transform_0, window_bounds = array<i64: 2048, 128>}, {transform_indices = @transform_1, window_bounds = array<i64: 2048, 128>}, {}, {transform_indices = @transform_3, window_bounds = array<i64: 200, 2048>}]} {
    %get3A = arith.constant 0 : index
    %get3A_0 = arith.constant 0 : index
    %get3A_1 = vector.load %arg1[%get3A, %get3A_0] : memref<2048x128xf32, #tpu.memory_space<vmem>>, vector<2048x128xf32>
    %transpose3A = tpu.transpose %get3A_1, [1, 0] : vector<2048x128xf32> -> vector<128x2048xf32>
    %slice3A = vector.extract_strided_slice %transpose3A {offsets = [0, 0], sizes = [100, 2048], strides = [1, 1]} : vector<128x2048xf32> to vector<100x2048xf32>
    %swap3A = arith.constant 0 : index
    %swap3A_2 = arith.constant 0 : index
    %swap3A_3 = vector.load %arg4[%swap3A, %swap3A_2] : memref<200x2048xf32, #tpu.memory_space<vmem>>, vector<100x2048xf32>
    tpu.vector_store %arg4[%swap3A, %swap3A_2], %slice3A {strides = array<i32>} : memref<200x2048xf32, #tpu.memory_space<vmem>>, vector<100x2048xf32>,
    %get3A_4 = arith.constant 0 : index
    %get3A_5 = arith.constant 0 : index
    %get3A_6 = vector.load %arg2[%get3A_4, %get3A_5] : memref<2048x128xf32, #tpu.memory_space<vmem>>, vector<2048x128xf32>
    %transpose3A_7 = tpu.transpose %get3A_6, [1, 0] : vector<2048x128xf32> -> vector<128x2048xf32>
    %slice3A_8 = vector.extract_strided_slice %transpose3A_7 {offsets = [0, 0], sizes = [100, 2048], strides = [1, 1]} : vector<128x2048xf32> to vector<100x2048xf32>
    %swap3A_9 = arith.constant 100 : index
    %swap3A_10 = arith.constant 0 : index
    %swap3A_11 = vector.load %arg4[%swap3A_9, %swap3A_10] : memref<200x2048xf32, #tpu.memory_space<vmem>>, vector<100x2048xf32>
    tpu.vector_store %arg4[%swap3A_9, %swap3A_10], %slice3A_8 {strides = array<i32>} : memref<200x2048xf32, #tpu.memory_space<vmem>>, vector<100x2048xf32>,
    return
  }
  func.func @transform_0(%arg0: i32) -> (i32, i32) {
    %c0_i32 = arith.constant 0 : i32
    %c0_i32_0 = arith.constant 0 : i32
    return %arg0, %c0_i32 : i32, i32
  }
  func.func @transform_1(%arg0: i32) -> (i32, i32) {
    %add3A = arith.constant 4 : i32
    %add3A_0 = arith.addi %arg0, %add3A : i32
    %c0_i32 = arith.constant 0 : i32
    %c0_i32_1 = arith.constant 0 : i32
    return %add3A_0, %c0_i32 : i32, i32
  }
  func.func @transform_3(%arg0: i32) -> (i32, i32) {
    %add3A = arith.constant 4 : i32
    %add3A_0 = arith.addi %arg0, %add3A : i32
    %c0_i32 = arith.constant 0 : i32
    %c0_i32_1 = arith.constant 0 : i32
    return %c0_i32, %add3A_0 : i32, i32
  }
}

</mosaic_0001>

<sc_bundles>
// kernel: kernel.10.cloned.1.call-start
scs
__scs_entry_jumppad:
0x0: {  	(pc) =	sbr.rel $0x88, $3  }
0x1: {  	(tag) =	ssettag $0x0;
	lr =	simm.s32 $0x1  }
0x2: {  	[smem:$0x3F9E] =	sst lr;
	_ =	strace $0xD0000000  }
0x3: {  	_ = 	snop  }
0x4: {  	_ = 	snop  }
0x5: {  	_ = 	snop  }
0x6: {  	_ = 	snop  }
0x7: {  	_ = 	snop  }
__scs_overlays_trampoline_lowered:
0x8: {  	[smem:$0x3FAD] =	sst s0  }
0x9: {  	[smem:$0x3FAE] =	sst s1  }
0xa: {  	[smem:$0x3FAF] =	sst s2  }
0xb: {  	[smem:$0x3FB0] =	sst s3  }
0xc: {  	[smem:$0x3FB1] =	sst s4  }
0xd: {  	[smem:$0x3FB2] =	sst s5  }
0xe: {  	[smem:$0x3FB3] =	sst s6  }
0xf: {  	[smem:$0x3FB4] =	sst s7  }
0x10: {  	[smem:$0x3FB5] =	sst s8  }
0x11: {  	[smem:$0x3FB6] =	sst s9;
	s0 =	simm.s32 @!p0 $0x0  }
0x12: {  	s1 =	sld [smem:$0x3F9C];
	s0 =	simm.s32 @p0 $0x1  }
0x13: {  	[smem:$0x3FB7] =	sst s0;
	s0 =	simm.s32 @!p1 $0x0  }
0x14: {  	s2 =	sld [smem:$0x3F9B];
	s0 =	simm.s32 @p1 $0x1  }
0x15: {  	[smem:$0x3FB8] =	sst s0;
	s0 =	simm.s32 @!p2 $0x0  }
0x16: {  	s3 =	sld [smem:$0x3FDB];
	s0 =	simm.s32 @p2 $0x1  }
0x17: {  	s4 =	simm.s32 $0x1BF5;
	[smem:$0x3FBA] =	sst s0  }
0x18: {  	s0 =	sld [smem:$0x3F9D];
	_ =	swait.ge [sflag:s4], $0x0  }
0x19: {  	s7 =	sld [smem:$0x3F9E]  }
0x1a: {  	s8 =	sadd.s32 $0xFFFFE003, lr  }
0x1b: {  	s9 =	sadd.s32 $0xFFFFFEF7, lr;
	s5 =	simm.s32 $0xFFFFFFFF;
	p2 =	slt.u32 s8, $0xFFFFF086  }
0x1c: {  	p1 =	slt.u32 s9, $0xF7A;
	s5 =	simm.s32 @!p2 $0x0  }
0x1d: {  	s5 =	simm.s32 @p1 $0x1;
	p0 =	seq.s32 s7, s2  }
0x1e: {  	s7 =	smul.u32 @!p0 $0xF7A, s2;
	p2 =	seq.s32 @!p0 s5, $0x0  }
0x1f: {  	s9 =	smul.u32 $0xF7A, s1;
	s8 =	simm.s32 @!p0 $0x1BF5;
	p2 =	por !p2, p0  }
0x20: {  	[sflag:s8] =	ssyncset.s32 @!p0 $0xFFFFF086;
	s6 =	sadd.s32 @!p0 s3, s7;
	s7 =	simm.s32 @!p0 $0x108  }
0x21: {  	s3 =	sadd.s32 s3, s9;
	s6 =	sadd.s32 @!p0 $0x88, s6;
	s7 =	simm.s32 @p2 $0x1082  }
0x22: {  	[simem:s7], [sflag:s8] =	dma.local @!p0 [hbm:s6], $0xF7A  }
0x23: {  	s9 =	sor.u32 $0xD0000000, s2;
	s6 =	simm.s32 $0x108;
	_ =	swait.ge @!p0 [sflag:s8], $0x0  }
0x24: {  	s3 =	sadd.s32 $0x88, s3;
	s6 =	simm.s32 @!p1 $0x1082;
	[sflag:s4] =	ssyncset.s32 $0xFFFFF086  }
0x25: {  	[simem:s6], [sflag:s4] =	dma.local [hbm:s3], $0xF7A  }
0x26: {  	[smem:$0x3F9E] =	sst s1;
	(tag) =	ssettag s2;
	_ =	strace s9  }
0x27: {  	s1 =	sld [smem:$0x3FAE]  }
0x28: {  	s2 =	sld [smem:$0x3FAF]  }
0x29: {  	s4 =	sld [smem:$0x3FB1]  }
0x2a: {  	p0 =	seq.s32 s5, $0x0;
	s5 =	sld [smem:$0x3FB2]  }
0x2b: {  	s6 =	sld [smem:$0x3FB3]  }
0x2c: {  	s7 =	sld [smem:$0x3FB4]  }
0x2d: {  	s3 =	simm.s32 $0x108;
	s8 =	sld [smem:$0x3FB5]  }
0x2e: {  	s3 =	simm.s32 @!p0 $0x1082;
	s9 =	sld [smem:$0x3FB6]  }
0x2f: {  	lr =	sadd.s32 s0, s3;
	s0 =	sld [smem:$0x3FAD]  }
0x30: {  	s3 =	sld [smem:$0x3FB0]  }
0x31: {  	[smem:$0x3FB9] =	sst s10  }
0x32: {  	s10 =	sld [smem:$0x3FB7];
	_ =	sdelay $0x3  }
0x33: {  	p0 =	seq.s32 s10, $0x1;
	s10 =	sld [smem:$0x3FB9];
	_ =	sdelay $0x3  }
0x34: {  	[smem:$0x3FB9] =	sst s10  }
0x35: {  	s10 =	sld [smem:$0x3FB8];
	_ =	sdelay $0x3  }
0x36: {  	p1 =	seq.s32 s10, $0x1;
	s10 =	sld [smem:$0x3FB9];
	_ =	sdelay $0x3  }
0x37: {  	[smem:$0x3FB9] =	sst s10  }
0x38: {  	s10 =	sld [smem:$0x3FBA]  }
0x39: {  	_ = 	snop;
	(pc) =	sbr.ind lr, $3  }
0x3a: {  	_ = 	snop  }
0x3b: {  	_ = 	snop  }
0x3c: {  	p2 =	seq.s32 s10, $0x1;
	s10 =	sld [smem:$0x3FB9]  }
0x3d: {  	_ =	shalt  }
0x3e: {  	_ =	shalt  }
0x3f: {  	_ =	shalt  }
0x40: {  	_ =	shalt  }
0x41: {  	_ =	shalt  }
0x42: {  	_ =	shalt  }
0x43: {  	_ =	shalt  }
0x44: {  	_ =	shalt  }
0x45: {  	_ =	shalt  }
0x46: {  	_ =	shalt  }
0x47: {  	_ =	shalt  }
0x48: {  	_ =	shalt  }
0x49: {  	_ =	shalt  }
0x4a: {  	_ =	shalt  }
0x4b: {  	_ =	shalt  }
0x4c: {  	_ =	shalt  }
0x4d: {  	_ =	shalt  }
0x4e: {  	_ =	shalt  }
0x4f: {  	_ =	shalt  }
0x50: {  	_ =	shalt  }
0x51: {  	_ =	shalt  }
0x52: {  	_ =	shalt  }
0x53: {  	_ =	shalt  }
0x54: {  	_ =	shalt  }
0x55: {  	_ =	shalt  }
0x56: {  	_ =	shalt  }
0x57: {  	_ =	shalt  }
0x58: {  	_ =	shalt  }
0x59: {  	_ =	shalt  }
0x5a: {  	_ =	shalt  }
0x5b: {  	_ =	shalt  }
0x5c: {  	_ =	shalt  }
0x5d: {  	_ =	shalt  }
0x5e: {  	_ =	shalt  }
0x5f: {  	_ =	shalt  }
0x60: {  	_ =	shalt  }
0x61: {  	_ =	shalt  }
0x62: {  	_ =	shalt  }
0x63: {  	_ =	shalt  }
0x64: {  	_ =	shalt  }
0x65: {  	_ =	shalt  }
0x66: {  	_ =	shalt  }
0x67: {  	_ =	shalt  }
0x68: {  	_ =	shalt  }
0x69: {  	_ =	shalt  }
0x6a: {  	_ =	shalt  }
0x6b: {  	_ =	shalt  }
0x6c: {  	_ =	shalt  }
0x6d: {  	_ =	shalt  }
0x6e: {  	_ =	shalt  }
0x6f: {  	_ =	shalt  }
0x70: {  	_ =	shalt  }
0x71: {  	_ =	shalt  }
0x72: {  	_ =	shalt  }
0x73: {  	_ =	shalt  }
0x74: {  	_ =	shalt  }
0x75: {  	_ =	shalt  }
0x76: {  	_ =	shalt  }
0x77: {  	_ =	shalt  }
0x78: {  	_ =	shalt  }
0x79: {  	_ =	shalt  }
0x7a: {  	_ =	shalt  }
0x7b: {  	_ =	shalt  }
0x7c: {  	_ =	shalt  }
0x7d: {  	_ =	shalt  }
0x7e: {  	_ =	shalt  }
0x7f: {  	_ =	shalt  }
0x80: {  	_ =	shalt  }
0x81: {  	_ =	shalt  }
0x82: {  	_ =	shalt  }
0x83: {  	_ =	shalt  }
0x84: {  	_ =	shalt  }
0x85: {  	_ =	shalt  }
0x86: {  	_ =	shalt  }
0x87: {  	_ =	shalt  }
.Lfunc_end0:
.L_simem_size_0:
called_computation.1_lowered:
.L_overlay_start_0:
0x88: {  	s2 =	sld [smem:$0x3FD9]  }
0x89: {  	s3 =	sld [smem:$0x3FFE];
	_ =	sdelay $0x1  }
0x8a: {  	s1 =	srdreg.scid  }
0x8b: {  	s0 =	sand.u32 $0x1, s1  }
0x8c: {  	s17 =	sshll.u32 s0, $0xA;
	s2 =	sadd.s32 s3, s2  }
0x8d: {  	s2 =	sadd.s32 s2, s17  }
0x8e: {  	[smem:$0x3FC5] =	sst s2  }
0x8f: {  	_ = 	snop  }
0x90: {  	(tm) =	ssettm $0x1  }
0x91: {  	s18 =	sld [smem:$0x3FFB];
	_ =	sdelay $0x3  }
0x92: {  	_ =	strace s18  }
0x93: {  	s2 =	sld [smem:$0x3FFC];
	_ =	sdelay $0x3  }
0x94: {  	_ =	strace s2  }
0x95: {  	s2 =	sld [smem:$0x3FFD];
	_ =	sdelay $0x3  }
0x96: {  	_ =	strace s2  }
0x97: {  	_ =	strace $0x8FFFFFFF  }
0x98: {  	s19 =	sld [smem:$0x3FDB];
	_ =	sdelay $0x1  }
0x99: {  	s20 =	simm.s32 $_scs_section_size  }
0x9a: {  	s4 =	simm.s32 $_size__tile_overlayer_lowered;
	s5 =	simm.s32 $_tile_overlayer_lowered  }
0x9b: {  	s6 =	simm.s32 $0x1BFF;
	s21 =	sshll.u32 s5, $0x1;
	s3 =	sadd.s32 s20, s19  }
0x9c: {  	s22 =	simm.s32 $0x0;
	s4 =	sshll.u32 s4, $0x1;
	s5 =	sadd.s32 s21, s3  }
0x9d: {  	[timem:s22], [sflag:s6] =	dma.local [hbm:s5], s4  }
0x9e: {  	_ =	swait.ge [sflag:s6], s4  }
0x9f: {  	s4 =	ssub.s32 $0x0, s4;
	[sflag:s6] =	ssyncset.done $0x0  }
0xa0: {  	[sflag:s6] =	ssyncadd.s32 s4;
	_ =	sdelay $0x1  }
0xa1: {  	s23 =	simm.s32 $0x1B8B  }
0xa2: {  	_ =	swait.ge [sflag:s23], $0x1  }
0xa3: {  	[sflag:s23] =	ssyncset.done $0x0  }
0xa4: {  	[sflag:s23] =	ssyncadd.s32 $0xFFFFFFFF  }
0xa5: {  	s4 =	sld [smem:$0x0]  }
0xa6: {  	s5 =	sand.u32 $0xFFFFFFFE, s1  }
0xa7: {  	p0 =	sne.s32 s1, s5  }
0xa8: {  	s5 =	sshll.u32 @p0 s5, $0xE  }
0xa9: {  	s5 =	sadd.s32 @p0 $0x11B8D, s5;
	s6 =	sshll.u32 @p0 s4, $0x11  }
0xaa: {  	s5 =	sor.u32 @p0 s6, s5  }
0xab: {  	[sflag:s5] =	ssyncadd.remote.s32 @p0 $0x1;
	_ =	sdelay $0x1  }
0xac: {  	s5 =	simm.s32 @p0 $0x1B8D  }
0xad: {  	_ =	swait.eq @p0 [sflag:s5], $0x1  }
0xae: {  	[sflag:s5] =	ssyncadd.s32 @p0 $0xFFFFFFFF  }
0xaf: {  	s6 =	sshll.u32 @!p0 s1, $0xE  }
0xb0: {  	s6 =	sor.u32 @!p0 $0x4000, s6;
	s5 =	simm.s32 @!p0 $0x1B8D  }
0xb1: {  	s4 =	sshll.u32 @!p0 s4, $0x11;
	s6 =	sadd.s32 @!p0 $0x11B8D, s6;
	_ =	swait.eq @!p0 [sflag:s5], $0x1  }
0xb2: {  	s4 =	sor.u32 @!p0 s4, s6;
	[sflag:s5] =	ssyncadd.s32 @!p0 $0xFFFFFFFF  }
0xb3: {  	s25 =	simm.s32 $0x1B8E;
	s24 =	sld [smem:$0x3FFE];
	[sflag:s4] =	ssyncadd.remote.s32 @!p0 $0x1  }
0xb4: {  	s26 =	simm.s32 $execute0_lowered;
	[smem:$0x3FD2] =	sst s25  }
0xb5: {  	s5 =	sshll.u32 s26, $0x1;
	_ =	strace $0x80000049;
	[dreg:$0x1] =	wrdreg $0xFFFFFFFF  }
0xb6: {  	s28 =	simm.s32 $_size_execute0_lowered;
	s3 =	sadd.s32 s3, s5;
	[dreg:$0x0] =	wrdreg $0x0  }
0xb7: {  	s5 =	sshll.u32 s28, $0x1;
	[dreg:$0x2] =	wrdreg s3  }
0xb8: {  	[dreg:$0x3] =	wrdreg s5  }
0xb9: {  	[dreg:$0x4] =	wrdreg $0xC0  }
0xba: {  	_ =	task [dreg:s22], $0x5FFFF  }
0xbb: {  	[dreg:$0x1] =	wrdreg $0xFFFFFFFF  }
0xbc: {  	[dreg:$0x0] =	wrdreg $0x60  }
0xbd: {  	[dreg:$0x2] =	wrdreg s24  }
0xbe: {  	[dreg:$0x3] =	wrdreg $0xA  }
0xbf: {  	_ =	task.clear_ibuf [dreg:s22], $0x4FFFF;
	_ =	strace $0x90000049  }
0xc0: {  	s29 =	simm.s32 $0xA;
	_ =	strace $0x8000004B  }
0xc1: {  	_ =	swait.ge [sflag:s29], $0x1  }
0xc2: {  	[sflag:s29] =	ssyncadd.s32 $0xFFFFFFFF  }
0xc3: {  	_ =	strace $0x9000004B  }
0xc4: {  	_ =	sfence  }
0xc5: {  	s30 =	sld [smem:$0x0];
	_ =	sdelay $0x2  }
0xc6: {  	s31 =	sshll.u32 s1, $0xD;
	s1 =	sshrl.u32 s1, $0x2  }
0xc7: {  	s4 =	sand.u32 $0x4000, s31;
	s1 =	sadd.s32 s1, s30  }
0xc8: {  	s0 =	sor.u32 s4, s0;
	s1 =	sshll.u32 s1, $0x11  }
0xc9: {  	s0 =	sor.u32 s1, s0  }
0xca: {  	s0 =	sadd.s32 $0x8F2B, s0  }
0xcb: {  	[sflag:s0] =	ssyncadd.remote.s32 $0x1  }
0xcc: {  	_ =	sfence.sel $0xFFFF  }
0xcd: {  	[dreg:$0x0] =	wrdreg $0xFFFFFFFF;
	(pc) =	sbr.abs _section_cstart, $3  }
0xce: {  	[dreg:$0x1] =	wrdreg $0xFFFFFFFF  }
0xcf: {  	_ =	task.clear_ibuf [dreg:s22], $0x2FFFF;
	_ =	strace $0x9FFFFFFF  }
0xd0: {  	(tm) =	ssettm $0x7FFFFFFF  }
0xd1: {  	_ =	shalt  }
tec
execute0_lowered:
.L_overlay_start_1:
0x0: {  	(tag) =	ssettag $0x1  }
0x1: {  	s0 =	srdreg.scid  }
0x2: {  	s9 =	rddreg [dreg:$0x0];
	s16 =	sand.u32 $0x1, s0  }
0x3: {  	s1 =	stileid.u32;
	s2 =	simm.s32 $0x0;
	s3 =	sshll.u32 s16, $0x6  }
0x4: {  	s0 =	rddreg [dreg:$0x1];
	s4 =	sshll.u32 s1, $0x7;
	s3 =	sadd.s32 s3, s9  }
0x5: {  	[smem:$0x7FF] =	sst s2;
	s3 =	sadd.s32 s4, s3  }
0x6: {  	_ =	strace $0x8000004A;
	s4 =	simm.s32 $0x3;
	s3 =	sadd.s32 $0x188400, s3  }
0x7: {  	[tilespmem:s2], [sflag:$0x3] =	stream.linear.gather [hbm4b:s3+s2], $0x200, $0x38;
	[tilespmem:$0x8200] =	vst v63  }
0x8: {  	_ =	swait.ge [sflag:s4], $0x200  }
0x9: {  	s6 =	simm.s32 $0x80;
	s7 =	simm.s32 $0x200;
	[sflag:s4] =	ssyncset.done $0x0  }
0xa: {  	s8 =	simm.s32 $0x1;
	s5 =	sadd.s32 $0x1200, s9;
	[sflag:s4] =	ssyncadd.s32 $0xFFFFFE00  }
0xb: {  	[tilespmem:s7], [sflag:$0x1] =	stream.indirect.gather [hbm4b:s5+s6], $0x80, s2, s6, $0xb8;
	[tilespmem:$0x8200] =	vst v63  }
0xc: {  	s10 =	sshll.u32 s1, $0xE;
	s11 =	sshll.u32 s16, $0xD;
	_ =	swait.ge [sflag:s8], $0x4000  }
0xd: {  	s10 =	sor.u32 s11, s10;
	[sflag:s8] =	ssyncset.done $0x0  }
0xe: {  	s17 =	sadd.s32 s10, s9;
	s9 =	simm.s32 $0x4200;
	[sflag:s8] =	ssyncadd.s32 $0xFFFFC000  }
0xf: {  	[tilespmem:s9], [sflag:$0x1] =	stream.indirect.gather [hbm4b:s5+s6], $0x80, s6, s6, $0xb8;
	[tilespmem:$0x8200] =	vst v63  }
0x10: {  	s10 =	sadd.s32 $0x188C00, s17  }
0x11: {  	[hbm4b:s10+s2] =	stream.linear.scatter [tilespmem:s7], [sflag:$0x2], $0x4000, $0x38;
	[tilespmem:$0x8200] =	vst v63  }
0x12: {  	_ =	swait.ge [sflag:s8], $0x4000  }
0x13: {  	[sflag:s8] =	ssyncset.done $0x0  }
0x14: {  	s11 =	simm.s32 $0x2;
	[sflag:s8] =	ssyncadd.s32 $0xFFFFC000  }
0x15: {  	_ =	swait.ge [sflag:s11], $0x4000  }
0x16: {  	[sflag:s11] =	ssyncset.done $0x0  }
0x17: {  	s12 =	simm.s32 $0x100;
	[sflag:s11] =	ssyncadd.s32 $0xFFFFC000  }
0x18: {  	[tilespmem:s7], [sflag:$0x1] =	stream.indirect.gather [hbm4b:s5+s6], $0x80, s12, s6, $0xb8;
	[tilespmem:$0x8200] =	vst v63  }
0x19: {  	s13 =	sadd.s32 $0x189400, s17  }
0x1a: {  	[hbm4b:s13+s2] =	stream.linear.scatter [tilespmem:s9], [sflag:$0x2], $0x4000, $0x38;
	[tilespmem:$0x8200] =	vst v63  }
0x1b: {  	_ =	swait.ge [sflag:s8], $0x4000  }
0x1c: {  	[sflag:s8] =	ssyncset.done $0x0  }
0x1d: {  	[sflag:s8] =	ssyncadd.s32 $0xFFFFC000  }
0x1e: {  	_ =	swait.ge [sflag:s11], $0x4000  }
0x1f: {  	[sflag:s11] =	ssyncset.done $0x0  }
0x20: {  	s14 =	simm.s32 $0x180;
	s18 =	ssub.s32 $0x2, s16;
	[sflag:s11] =	ssyncadd.s32 $0xFFFFC000  }
0x21: {  	[tilespmem:s9], [sflag:$0x1] =	stream.indirect.gather [hbm4b:s5+s6], $0x80, s14, s6, $0xb8;
	[tilespmem:$0x8200] =	vst v63  }
0x22: {  	s31 =	sshrl.u32 s18, $0x1;
	s15 =	sadd.s32 $0x189C00, s17  }
0x23: {  	[hbm4b:s15+s2] =	stream.linear.scatter [tilespmem:s7], [sflag:$0x2], $0x4000, $0x38;
	[tilespmem:$0x8200] =	vst v63  }
0x24: {  	s16 =	sadd.s32 $0x18A400, s17;
	s17 =	ssub.s32 s18, s31;
	_ =	swait.ge [sflag:s8], $0x4000  }
0x25: {  	s17 =	smax.u32 s17, $0x1;
	[sflag:s8] =	ssyncset.done $0x0  }
0x26: {  	p0 =	sne.s32 s17, $0x1;
	[sflag:s8] =	ssyncadd.s32 $0xFFFFC000  }
0x27: {  	[hbm4b:s16+s2] =	stream.linear.scatter [tilespmem:s9], [sflag:$0x2], $0x4000, $0x38;
	[tilespmem:$0x8200] =	vst v63  }
.Ltmp0:
0x28: {  	_ =	swait.ge [sflag:s11], $0x4000;
	(pc) =	sbr.rel @!p0 .LBB2_2-.Ltmp0, $4  }
0x29: {  	[sflag:s11] =	ssyncset.done $0x0  }
0x2a: {  	[sflag:s11] =	ssyncadd.s32 $0xFFFFC000  }
0x2b: {  	_ =	swait.ge [sflag:s11], $0x4000  }
0x2c: {  	s17 =	sadd.s32 $0xFFFFFFFF, s17;
	[sflag:s11] =	ssyncset.done $0x0  }
.LBB2_1:
0x2d: {  	p0 =	sne.s32 s17, $0x1;
	s17 =	sadd.s32 $0xFFFFFFFF, s17;
	[sflag:s11] =	ssyncadd.s32 $0xFFFFC000  }
0x2e: {  	[tilespmem:s2], [sflag:$0x3] =	stream.linear.gather [hbm4b:s3+s2], $0x200, $0x38;
	[tilespmem:$0x8200] =	vst v63  }
0x2f: {  	_ =	swait.ge [sflag:s4], $0x200  }
0x30: {  	[sflag:s4] =	ssyncset.done $0x0  }
0x31: {  	[sflag:s4] =	ssyncadd.s32 $0xFFFFFE00  }
0x32: {  	[tilespmem:s7], [sflag:$0x1] =	stream.indirect.gather [hbm4b:s5+s6], $0x80, s2, s6, $0xb8;
	[tilespmem:$0x8200] =	vst v63  }
0x33: {  	_ =	swait.ge [sflag:s8], $0x4000  }
0x34: {  	[sflag:s8] =	ssyncset.done $0x0  }
0x35: {  	[sflag:s8] =	ssyncadd.s32 $0xFFFFC000  }
0x36: {  	[tilespmem:s9], [sflag:$0x1] =	stream.indirect.gather [hbm4b:s5+s6], $0x80, s6, s6, $0xb8;
	[tilespmem:$0x8200] =	vst v63  }
0x37: {  	_ = 	snop  }
0x38: {  	[hbm4b:s10+s2] =	stream.linear.scatter [tilespmem:s7], [sflag:$0x2], $0x4000, $0x38;
	[tilespmem:$0x8200] =	vst v63  }
0x39: {  	_ =	swait.ge [sflag:s8], $0x4000  }
0x3a: {  	[sflag:s8] =	ssyncset.done $0x0  }
0x3b: {  	[sflag:s8] =	ssyncadd.s32 $0xFFFFC000  }
0x3c: {  	_ =	swait.ge [sflag:s11], $0x4000  }
0x3d: {  	[sflag:s11] =	ssyncset.done $0x0  }
0x3e: {  	[sflag:s11] =	ssyncadd.s32 $0xFFFFC000  }
0x3f: {  	[tilespmem:s7], [sflag:$0x1] =	stream.indirect.gather [hbm4b:s5+s6], $0x80, s12, s6, $0xb8;
	[tilespmem:$0x8200] =	vst v63  }
0x40: {  	_ = 	snop  }
0x41: {  	[hbm4b:s13+s2] =	stream.linear.scatter [tilespmem:s9], [sflag:$0x2], $0x4000, $0x38;
	[tilespmem:$0x8200] =	vst v63  }
0x42: {  	_ =	swait.ge [sflag:s8], $0x4000  }
0x43: {  	[sflag:s8] =	ssyncset.done $0x0  }
0x44: {  	[sflag:s8] =	ssyncadd.s32 $0xFFFFC000  }
0x45: {  	_ =	swait.ge [sflag:s11], $0x4000  }
0x46: {  	[sflag:s11] =	ssyncset.done $0x0  }
0x47: {  	[sflag:s11] =	ssyncadd.s32 $0xFFFFC000  }
0x48: {  	[tilespmem:s9], [sflag:$0x1] =	stream.indirect.gather [hbm4b:s5+s6], $0x80, s14, s6, $0xb8;
	[tilespmem:$0x8200] =	vst v63  }
0x49: {  	_ = 	snop  }
0x4a: {  	[hbm4b:s15+s2] =	stream.linear.scatter [tilespmem:s7], [sflag:$0x2], $0x4000, $0x38;
	[tilespmem:$0x8200] =	vst v63  }
0x4b: {  	_ =	swait.ge [sflag:s8], $0x4000  }
0x4c: {  	[sflag:s8] =	ssyncset.done $0x0  }
0x4d: {  	[sflag:s8] =	ssyncadd.s32 $0xFFFFC000  }
0x4e: {  	[hbm4b:s16+s2] =	stream.linear.scatter [tilespmem:s9], [sflag:$0x2], $0x4000, $0x38;
	[tilespmem:$0x8200] =	vst v63  }
.Ltmp1:
0x4f: {  	_ =	swait.ge [sflag:s11], $0x4000;
	(pc) =	sbr.rel @p0 .LBB2_1-.Ltmp1, $4  }
0x50: {  	[sflag:s11] =	ssyncset.done $0x0  }
0x51: {  	[sflag:s11] =	ssyncadd.s32 $0xFFFFC000  }
0x52: {  	_ =	swait.ge [sflag:s11], $0x4000  }
0x53: {  	[sflag:s11] =	ssyncset.done $0x0  }
.LBB2_2:
0x54: {  	[sflag:s11] =	ssyncadd.s32 $0xFFFFC000  }
0x55: {  	_ =	sfence.sel $0x180000  }
0x56: {  	[bflag:$0x0] =	sbarrier.arrive $0xFFFF  }
0x57: {  	p0 =	sne.s32 s1, $0x0;
	_ =	strace $0x9000004A  }
0x58: {  	s0 =	sadd.s32 @!p0 $0x100000, s0;
	[bflag:$0x2] =	sbarrier.arrive $0xFFFF  }
0x59: {  	[sflag:s0] =	ssyncadd.tile.s32 @!p0 $0x1;
	_ =	shalt  }
.Lfunc_end2:
_tile_overlayer_lowered:
.L_overlay_start_2:
0x5a: {  	(tag) =	ssettag $0x2  }
0x5b: {  	s0 =	rddreg [dreg:$0x0];
	s2 =	stileid.u32  }
0x5c: {  	s1 =	rddreg [dreg:$0x1];
	p0 =	sne.s32 s2, $0x0  }
0x5d: {  	s3 =	rddreg [dreg:$0x2];
	[bflag:$0x3] =	sbarrier.arrive $0xFFFF;
	s2 =	simm.s32 @!p0 $0x1C03  }
0x5e: {  	[timem:s3], [sflag:s2] =	dma.local @!p0 [hbm:s0], s1  }
0x5f: {  	s0 =	simm.s32 @!p0 $0x3  }
0x60: {  	_ =	swait.ge @!p0 [sflag:s0], s1  }
0x61: {  	s1 =	ssub.s32 @!p0 $0x0, s1;
	[sflag:s0] =	ssyncset.done @!p0 $0x0  }
0x62: {  	[sflag:s0] =	ssyncadd.s32 @!p0 s1  }
0x63: {  	[bflag:$0x3] =	sbarrier.arrive $0xFFFF  }
0x64: {  	_ =	shalt  }

// kernel: kernel.7.cloned.1.call-start
scs
__scs_entry_jumppad:
0x0: {  	(pc) =	sbr.rel $0x88, $3  }
0x1: {  	(tag) =	ssettag $0x0;
	lr =	simm.s32 $0x1  }
0x2: {  	[smem:$0x3F9E] =	sst lr;
	_ =	strace $0xD0000000  }
0x3: {  	_ = 	snop  }
0x4: {  	_ = 	snop  }
0x5: {  	_ = 	snop  }
0x6: {  	_ = 	snop  }
0x7: {  	_ = 	snop  }
__scs_overlays_trampoline_lowered:
0x8: {  	[smem:$0x3FAD] =	sst s0  }
0x9: {  	[smem:$0x3FAE] =	sst s1  }
0xa: {  	[smem:$0x3FAF] =	sst s2  }
0xb: {  	[smem:$0x3FB0] =	sst s3  }
0xc: {  	[smem:$0x3FB1] =	sst s4  }
0xd: {  	[smem:$0x3FB2] =	sst s5  }
0xe: {  	[smem:$0x3FB3] =	sst s6  }
0xf: {  	[smem:$0x3FB4] =	sst s7  }
0x10: {  	[smem:$0x3FB5] =	sst s8  }
0x11: {  	[smem:$0x3FB6] =	sst s9;
	s0 =	simm.s32 @!p0 $0x0  }
0x12: {  	s1 =	sld [smem:$0x3F9C];
	s0 =	simm.s32 @p0 $0x1  }
0x13: {  	[smem:$0x3FB7] =	sst s0;
	s0 =	simm.s32 @!p1 $0x0  }
0x14: {  	s2 =	sld [smem:$0x3F9B];
	s0 =	simm.s32 @p1 $0x1  }
0x15: {  	[smem:$0x3FB8] =	sst s0;
	s0 =	simm.s32 @!p2 $0x0  }
0x16: {  	s3 =	sld [smem:$0x3FDB];
	s0 =	simm.s32 @p2 $0x1  }
0x17: {  	s4 =	simm.s32 $0x1BF5;
	[smem:$0x3FBA] =	sst s0  }
0x18: {  	s0 =	sld [smem:$0x3F9D];
	_ =	swait.ge [sflag:s4], $0x0  }
0x19: {  	s7 =	sld [smem:$0x3F9E]  }
0x1a: {  	s8 =	sadd.s32 $0xFFFFE003, lr  }
0x1b: {  	s9 =	sadd.s32 $0xFFFFFEF7, lr;
	s5 =	simm.s32 $0xFFFFFFFF;
	p2 =	slt.u32 s8, $0xFFFFF086  }
0x1c: {  	p1 =	slt.u32 s9, $0xF7A;
	s5 =	simm.s32 @!p2 $0x0  }
0x1d: {  	s5 =	simm.s32 @p1 $0x1;
	p0 =	seq.s32 s7, s2  }
0x1e: {  	s7 =	smul.u32 @!p0 $0xF7A, s2;
	p2 =	seq.s32 @!p0 s5, $0x0  }
0x1f: {  	s9 =	smul.u32 $0xF7A, s1;
	s8 =	simm.s32 @!p0 $0x1BF5;
	p2 =	por !p2, p0  }
0x20: {  	[sflag:s8] =	ssyncset.s32 @!p0 $0xFFFFF086;
	s6 =	sadd.s32 @!p0 s3, s7;
	s7 =	simm.s32 @!p0 $0x108  }
0x21: {  	s3 =	sadd.s32 s3, s9;
	s6 =	sadd.s32 @!p0 $0x88, s6;
	s7 =	simm.s32 @p2 $0x1082  }
0x22: {  	[simem:s7], [sflag:s8] =	dma.local @!p0 [hbm:s6], $0xF7A  }
0x23: {  	s9 =	sor.u32 $0xD0000000, s2;
	s6 =	simm.s32 $0x108;
	_ =	swait.ge @!p0 [sflag:s8], $0x0  }
0x24: {  	s3 =	sadd.s32 $0x88, s3;
	s6 =	simm.s32 @!p1 $0x1082;
	[sflag:s4] =	ssyncset.s32 $0xFFFFF086  }
0x25: {  	[simem:s6], [sflag:s4] =	dma.local [hbm:s3], $0xF7A  }
0x26: {  	[smem:$0x3F9E] =	sst s1;
	(tag) =	ssettag s2;
	_ =	strace s9  }
0x27: {  	s1 =	sld [smem:$0x3FAE]  }
0x28: {  	s2 =	sld [smem:$0x3FAF]  }
0x29: {  	s4 =	sld [smem:$0x3FB1]  }
0x2a: {  	p0 =	seq.s32 s5, $0x0;
	s5 =	sld [smem:$0x3FB2]  }
0x2b: {  	s6 =	sld [smem:$0x3FB3]  }
0x2c: {  	s7 =	sld [smem:$0x3FB4]  }
0x2d: {  	s3 =	simm.s32 $0x108;
	s8 =	sld [smem:$0x3FB5]  }
0x2e: {  	s3 =	simm.s32 @!p0 $0x1082;
	s9 =	sld [smem:$0x3FB6]  }
0x2f: {  	lr =	sadd.s32 s0, s3;
	s0 =	sld [smem:$0x3FAD]  }
0x30: {  	s3 =	sld [smem:$0x3FB0]  }
0x31: {  	[smem:$0x3FB9] =	sst s10  }
0x32: {  	s10 =	sld [smem:$0x3FB7];
	_ =	sdelay $0x3  }
0x33: {  	p0 =	seq.s32 s10, $0x1;
	s10 =	sld [smem:$0x3FB9];
	_ =	sdelay $0x3  }
0x34: {  	[smem:$0x3FB9] =	sst s10  }
0x35: {  	s10 =	sld [smem:$0x3FB8];
	_ =	sdelay $0x3  }
0x36: {  	p1 =	seq.s32 s10, $0x1;
	s10 =	sld [smem:$0x3FB9];
	_ =	sdelay $0x3  }
0x37: {  	[smem:$0x3FB9] =	sst s10  }
0x38: {  	s10 =	sld [smem:$0x3FBA]  }
0x39: {  	_ = 	snop;
	(pc) =	sbr.ind lr, $3  }
0x3a: {  	_ = 	snop  }
0x3b: {  	_ = 	snop  }
0x3c: {  	p2 =	seq.s32 s10, $0x1;
	s10 =	sld [smem:$0x3FB9]  }
0x3d: {  	_ =	shalt  }
0x3e: {  	_ =	shalt  }
0x3f: {  	_ =	shalt  }
0x40: {  	_ =	shalt  }
0x41: {  	_ =	shalt  }
0x42: {  	_ =	shalt  }
0x43: {  	_ =	shalt  }
0x44: {  	_ =	shalt  }
0x45: {  	_ =	shalt  }
0x46: {  	_ =	shalt  }
0x47: {  	_ =	shalt  }
0x48: {  	_ =	shalt  }
0x49: {  	_ =	shalt  }
0x4a: {  	_ =	shalt  }
0x4b: {  	_ =	shalt  }
0x4c: {  	_ =	shalt  }
0x4d: {  	_ =	shalt  }
0x4e: {  	_ =	shalt  }
0x4f: {  	_ =	shalt  }
0x50: {  	_ =	shalt  }
0x51: {  	_ =	shalt  }
0x52: {  	_ =	shalt  }
0x53: {  	_ =	shalt  }
0x54: {  	_ =	shalt  }
0x55: {  	_ =	shalt  }
0x56: {  	_ =	shalt  }
0x57: {  	_ =	shalt  }
0x58: {  	_ =	shalt  }
0x59: {  	_ =	shalt  }
0x5a: {  	_ =	shalt  }
0x5b: {  	_ =	shalt  }
0x5c: {  	_ =	shalt  }
0x5d: {  	_ =	shalt  }
0x5e: {  	_ =	shalt  }
0x5f: {  	_ =	shalt  }
0x60: {  	_ =	shalt  }
0x61: {  	_ =	shalt  }
0x62: {  	_ =	shalt  }
0x63: {  	_ =	shalt  }
0x64: {  	_ =	shalt  }
0x65: {  	_ =	shalt  }
0x66: {  	_ =	shalt  }
0x67: {  	_ =	shalt  }
0x68: {  	_ =	shalt  }
0x69: {  	_ =	shalt  }
0x6a: {  	_ =	shalt  }
0x6b: {  	_ =	shalt  }
0x6c: {  	_ =	shalt  }
0x6d: {  	_ =	shalt  }
0x6e: {  	_ =	shalt  }
0x6f: {  	_ =	shalt  }
0x70: {  	_ =	shalt  }
0x71: {  	_ =	shalt  }
0x72: {  	_ =	shalt  }
0x73: {  	_ =	shalt  }
0x74: {  	_ =	shalt  }
0x75: {  	_ =	shalt  }
0x76: {  	_ =	shalt  }
0x77: {  	_ =	shalt  }
0x78: {  	_ =	shalt  }
0x79: {  	_ =	shalt  }
0x7a: {  	_ =	shalt  }
0x7b: {  	_ =	shalt  }
0x7c: {  	_ =	shalt  }
0x7d: {  	_ =	shalt  }
0x7e: {  	_ =	shalt  }
0x7f: {  	_ =	shalt  }
0x80: {  	_ =	shalt  }
0x81: {  	_ =	shalt  }
0x82: {  	_ =	shalt  }
0x83: {  	_ =	shalt  }
0x84: {  	_ =	shalt  }
0x85: {  	_ =	shalt  }
0x86: {  	_ =	shalt  }
0x87: {  	_ =	shalt  }
.Lfunc_end0:
.L_simem_size_0:
called_computation_lowered:
.L_overlay_start_0:
0x88: {  	s2 =	sld [smem:$0x3FD9]  }
0x89: {  	s3 =	sld [smem:$0x3FFE];
	_ =	sdelay $0x1  }
0x8a: {  	s1 =	srdreg.scid  }
0x8b: {  	s0 =	sand.u32 $0x1, s1  }
0x8c: {  	s17 =	sshll.u32 s0, $0xA;
	s2 =	sadd.s32 s3, s2  }
0x8d: {  	s2 =	sadd.s32 s2, s17  }
0x8e: {  	[smem:$0x3FC5] =	sst s2  }
0x8f: {  	_ = 	snop  }
0x90: {  	s2 =	sld [smem:$0x3FD0];
	(tm) =	ssettm $0x1  }
0x91: {  	s18 =	sld [smem:$0x3FFB];
	_ =	sdelay $0x3  }
0x92: {  	_ =	strace s18  }
0x93: {  	s3 =	sld [smem:$0x3FFC];
	_ =	sdelay $0x3  }
0x94: {  	_ =	strace s3  }
0x95: {  	s3 =	sld [smem:$0x3FFD];
	_ =	sdelay $0x3  }
0x96: {  	_ =	strace s3  }
0x97: {  	_ =	strace $0x8FFFFFFF  }
0x98: {  	s19 =	sld [smem:$0x3FDB];
	_ =	sdelay $0x1  }
0x99: {  	s4 =	simm.s32 $_scs_section_size  }
0x9a: {  	s5 =	simm.s32 $_size__tile_overlayer_lowered;
	s6 =	simm.s32 $_tile_overlayer_lowered  }
0x9b: {  	s22 =	simm.s32 $0x1BFF;
	s21 =	sshll.u32 s6, $0x1;
	s3 =	sadd.s32 s4, s19  }
0x9c: {  	s7 =	simm.s32 $0x0;
	s20 =	sshll.u32 s5, $0x1;
	s5 =	sadd.s32 s21, s3  }
0x9d: {  	[timem:s7], [sflag:s22] =	dma.local [hbm:s5], s20  }
0x9e: {  	_ =	swait.ge [sflag:s22], s20  }
0x9f: {  	s4 =	ssub.s32 $0x0, s20;
	[sflag:s22] =	ssyncset.done $0x0  }
0xa0: {  	[sflag:s22] =	ssyncadd.s32 s4;
	_ =	sdelay $0x1  }
0xa1: {  	s23 =	simm.s32 $0x1B8B  }
0xa2: {  	_ =	swait.ge [sflag:s23], $0x1  }
0xa3: {  	[sflag:s23] =	ssyncset.done $0x0  }
0xa4: {  	s25 =	simm.s32 $0x1B8E;
	s24 =	sld [smem:$0x3FFE];
	[sflag:s23] =	ssyncadd.s32 $0xFFFFFFFF  }
0xa5: {  	s26 =	simm.s32 $execute0_lowered;
	[smem:$0x3FD2] =	sst s25  }
0xa6: {  	s5 =	sshll.u32 s26, $0x1;
	_ =	strace $0x80000046;
	[dreg:$0x1] =	wrdreg $0xFFFFFFFF  }
0xa7: {  	s28 =	simm.s32 $_size_execute0_lowered;
	s3 =	sadd.s32 s3, s5;
	[dreg:$0x0] =	wrdreg $0x0  }
0xa8: {  	s5 =	sshll.u32 s28, $0x1;
	[dreg:$0x2] =	wrdreg s3  }
0xa9: {  	[dreg:$0x3] =	wrdreg s5  }
0xaa: {  	[dreg:$0x4] =	wrdreg $0xC0  }
0xab: {  	_ =	task [dreg:s7], $0x5FFFF  }
0xac: {  	[dreg:$0x1] =	wrdreg $0xFFFFFFFF  }
0xad: {  	[dreg:$0x0] =	wrdreg $0x60  }
0xae: {  	[dreg:$0x2] =	wrdreg s24  }
0xaf: {  	[dreg:$0x3] =	wrdreg s2  }
0xb0: {  	[dreg:$0x4] =	wrdreg $0x9  }
0xb1: {  	_ =	task.clear_ibuf [dreg:s7], $0x5FFFF;
	_ =	strace $0x90000046  }
0xb2: {  	s29 =	simm.s32 $0x9;
	_ =	strace $0x80000048  }
0xb3: {  	_ =	swait.ge [sflag:s29], $0x1  }
0xb4: {  	[sflag:s29] =	ssyncadd.s32 $0xFFFFFFFF  }
0xb5: {  	_ =	strace $0x90000048  }
0xb6: {  	_ =	sfence  }
0xb7: {  	s30 =	sld [smem:$0x0];
	_ =	sdelay $0x2  }
0xb8: {  	s31 =	sshll.u32 s1, $0xD;
	s1 =	sshrl.u32 s1, $0x2  }
0xb9: {  	s3 =	sand.u32 $0x4000, s31;
	s1 =	sadd.s32 s1, s30  }
0xba: {  	s0 =	sor.u32 s3, s0;
	s1 =	sshll.u32 s1, $0x11  }
0xbb: {  	s0 =	sor.u32 s1, s0  }
0xbc: {  	s0 =	sadd.s32 $0x8F2B, s0  }
0xbd: {  	[sflag:s0] =	ssyncadd.remote.s32 $0x1  }
0xbe: {  	_ =	sfence.sel $0xFFFF  }
0xbf: {  	[dreg:$0x0] =	wrdreg $0xFFFFFFFF;
	(pc) =	sbr.abs _section_cstart, $3  }
0xc0: {  	[dreg:$0x1] =	wrdreg $0xFFFFFFFF  }
0xc1: {  	_ =	task.clear_ibuf [dreg:s7], $0x2FFFF;
	_ =	strace $0x9FFFFFFF  }
0xc2: {  	(tm) =	ssettm $0x7FFFFFFF  }
0xc3: {  	_ =	shalt  }
tec
execute0_lowered:
.L_overlay_start_1:
0x0: {  	(tag) =	ssettag $0x1  }
0x1: {  	s5 =	rddreg [dreg:$0x0];
	s0 =	srdreg.scid  }
0x2: {  	s10 =	rddreg [dreg:$0x1];
	s16 =	sand.u32 $0x1, s0  }
0x3: {  	s1 =	stileid.u32;
	s2 =	simm.s32 $0x0;
	s3 =	sshll.u32 s16, $0x6  }
0x4: {  	s0 =	rddreg [dreg:$0x2];
	s4 =	sshll.u32 s1, $0x7;
	s3 =	sadd.s32 s3, s5  }
0x5: {  	[smem:$0x7FF] =	sst s2;
	s3 =	sadd.s32 s4, s3  }
0x6: {  	_ =	strace $0x80000047;
	s4 =	simm.s32 $0x3;
	s3 =	sadd.s32 $0x187C00, s3  }
0x7: {  	[tilespmem:s2], [sflag:$0x3] =	stream.linear.gather [hbm4b:s3+s2], $0x200, $0x38;
	[tilespmem:$0x8200] =	vst v63  }
0x8: {  	_ =	swait.ge [sflag:s4], $0x200  }
0x9: {  	s6 =	simm.s32 $0x80;
	s7 =	simm.s32 $0x200;
	[sflag:s4] =	ssyncset.done $0x0  }
0xa: {  	s8 =	simm.s32 $0x1;
	s5 =	sadd.s32 $0x1200, s5;
	[sflag:s4] =	ssyncadd.s32 $0xFFFFFE00  }
0xb: {  	[tilespmem:s7], [sflag:$0x1] =	stream.indirect.gather [hbm4b:s5+s6], $0x80, s2, s6, $0xb8;
	[tilespmem:$0x8200] =	vst v63  }
0xc: {  	_ =	swait.ge [sflag:s8], $0x4000  }
0xd: {  	s9 =	sshll.u32 s1, $0xE;
	s11 =	sshll.u32 s16, $0xD;
	[sflag:s8] =	ssyncset.done $0x0  }
0xe: {  	s11 =	sor.u32 s11, s9;
	s9 =	simm.s32 $0x4200;
	[sflag:s8] =	ssyncadd.s32 $0xFFFFC000  }
0xf: {  	[tilespmem:s9], [sflag:$0x1] =	stream.indirect.gather [hbm4b:s5+s6], $0x80, s6, s6, $0xb8;
	[tilespmem:$0x8200] =	vst v63  }
0x10: {  	s10 =	sadd.s32 s10, s11  }
0x11: {  	[hbm4b:s10+s2] =	stream.linear.scatter [tilespmem:s7], [sflag:$0x2], $0x4000, $0x38;
	[tilespmem:$0x8200] =	vst v63  }
0x12: {  	_ =	swait.ge [sflag:s8], $0x4000  }
0x13: {  	[sflag:s8] =	ssyncset.done $0x0  }
0x14: {  	s11 =	simm.s32 $0x2;
	[sflag:s8] =	ssyncadd.s32 $0xFFFFC000  }
0x15: {  	_ =	swait.ge [sflag:s11], $0x4000  }
0x16: {  	[sflag:s11] =	ssyncset.done $0x0  }
0x17: {  	s12 =	simm.s32 $0x100;
	[sflag:s11] =	ssyncadd.s32 $0xFFFFC000  }
0x18: {  	[tilespmem:s7], [sflag:$0x1] =	stream.indirect.gather [hbm4b:s5+s6], $0x80, s12, s6, $0xb8;
	[tilespmem:$0x8200] =	vst v63  }
0x19: {  	s13 =	sadd.s32 $0x800, s10  }
0x1a: {  	[hbm4b:s13+s2] =	stream.linear.scatter [tilespmem:s9], [sflag:$0x2], $0x4000, $0x38;
	[tilespmem:$0x8200] =	vst v63  }
0x1b: {  	_ =	swait.ge [sflag:s8], $0x4000  }
0x1c: {  	[sflag:s8] =	ssyncset.done $0x0  }
0x1d: {  	[sflag:s8] =	ssyncadd.s32 $0xFFFFC000  }
0x1e: {  	_ =	swait.ge [sflag:s11], $0x4000  }
0x1f: {  	[sflag:s11] =	ssyncset.done $0x0  }
0x20: {  	s14 =	simm.s32 $0x180;
	s17 =	ssub.s32 $0x2, s16;
	[sflag:s11] =	ssyncadd.s32 $0xFFFFC000  }
0x21: {  	[tilespmem:s9], [sflag:$0x1] =	stream.indirect.gather [hbm4b:s5+s6], $0x80, s14, s6, $0xb8;
	[tilespmem:$0x8200] =	vst v63  }
0x22: {  	s18 =	sshrl.u32 s17, $0x1;
	s15 =	sadd.s32 $0x1000, s10  }
0x23: {  	[hbm4b:s15+s2] =	stream.linear.scatter [tilespmem:s7], [sflag:$0x2], $0x4000, $0x38;
	[tilespmem:$0x8200] =	vst v63  }
0x24: {  	s17 =	ssub.s32 s17, s18;
	_ =	swait.ge [sflag:s8], $0x4000  }
0x25: {  	s17 =	smax.u32 s17, $0x1;
	[sflag:s8] =	ssyncset.done $0x0  }
0x26: {  	s16 =	sadd.s32 $0x1800, s10;
	p0 =	sne.s32 s17, $0x1;
	[sflag:s8] =	ssyncadd.s32 $0xFFFFC000  }
0x27: {  	[hbm4b:s16+s2] =	stream.linear.scatter [tilespmem:s9], [sflag:$0x2], $0x4000, $0x38;
	[tilespmem:$0x8200] =	vst v63  }
.Ltmp0:
0x28: {  	_ =	swait.ge [sflag:s11], $0x4000;
	(pc) =	sbr.rel @!p0 .LBB2_2-.Ltmp0, $4  }
0x29: {  	[sflag:s11] =	ssyncset.done $0x0  }
0x2a: {  	[sflag:s11] =	ssyncadd.s32 $0xFFFFC000  }
0x2b: {  	_ =	swait.ge [sflag:s11], $0x4000  }
0x2c: {  	s17 =	sadd.s32 $0xFFFFFFFF, s17;
	[sflag:s11] =	ssyncset.done $0x0  }
.LBB2_1:
0x2d: {  	p0 =	sne.s32 s17, $0x1;
	s17 =	sadd.s32 $0xFFFFFFFF, s17;
	[sflag:s11] =	ssyncadd.s32 $0xFFFFC000  }
0x2e: {  	[tilespmem:s2], [sflag:$0x3] =	stream.linear.gather [hbm4b:s3+s2], $0x200, $0x38;
	[tilespmem:$0x8200] =	vst v63  }
0x2f: {  	_ =	swait.ge [sflag:s4], $0x200  }
0x30: {  	[sflag:s4] =	ssyncset.done $0x0  }
0x31: {  	[sflag:s4] =	ssyncadd.s32 $0xFFFFFE00  }
0x32: {  	[tilespmem:s7], [sflag:$0x1] =	stream.indirect.gather [hbm4b:s5+s6], $0x80, s2, s6, $0xb8;
	[tilespmem:$0x8200] =	vst v63  }
0x33: {  	_ =	swait.ge [sflag:s8], $0x4000  }
0x34: {  	[sflag:s8] =	ssyncset.done $0x0  }
0x35: {  	[sflag:s8] =	ssyncadd.s32 $0xFFFFC000  }
0x36: {  	[tilespmem:s9], [sflag:$0x1] =	stream.indirect.gather [hbm4b:s5+s6], $0x80, s6, s6, $0xb8;
	[tilespmem:$0x8200] =	vst v63  }
0x37: {  	_ = 	snop  }
0x38: {  	[hbm4b:s10+s2] =	stream.linear.scatter [tilespmem:s7], [sflag:$0x2], $0x4000, $0x38;
	[tilespmem:$0x8200] =	vst v63  }
0x39: {  	_ =	swait.ge [sflag:s8], $0x4000  }
0x3a: {  	[sflag:s8] =	ssyncset.done $0x0  }
0x3b: {  	[sflag:s8] =	ssyncadd.s32 $0xFFFFC000  }
0x3c: {  	_ =	swait.ge [sflag:s11], $0x4000  }
0x3d: {  	[sflag:s11] =	ssyncset.done $0x0  }
0x3e: {  	[sflag:s11] =	ssyncadd.s32 $0xFFFFC000  }
0x3f: {  	[tilespmem:s7], [sflag:$0x1] =	stream.indirect.gather [hbm4b:s5+s6], $0x80, s12, s6, $0xb8;
	[tilespmem:$0x8200] =	vst v63  }
0x40: {  	_ = 	snop  }
0x41: {  	[hbm4b:s13+s2] =	stream.linear.scatter [tilespmem:s9], [sflag:$0x2], $0x4000, $0x38;
	[tilespmem:$0x8200] =	vst v63  }
0x42: {  	_ =	swait.ge [sflag:s8], $0x4000  }
0x43: {  	[sflag:s8] =	ssyncset.done $0x0  }
0x44: {  	[sflag:s8] =	ssyncadd.s32 $0xFFFFC000  }
0x45: {  	_ =	swait.ge [sflag:s11], $0x4000  }
0x46: {  	[sflag:s11] =	ssyncset.done $0x0  }
0x47: {  	[sflag:s11] =	ssyncadd.s32 $0xFFFFC000  }
0x48: {  	[tilespmem:s9], [sflag:$0x1] =	stream.indirect.gather [hbm4b:s5+s6], $0x80, s14, s6, $0xb8;
	[tilespmem:$0x8200] =	vst v63  }
0x49: {  	_ = 	snop  }
0x4a: {  	[hbm4b:s15+s2] =	stream.linear.scatter [tilespmem:s7], [sflag:$0x2], $0x4000, $0x38;
	[tilespmem:$0x8200] =	vst v63  }
0x4b: {  	_ =	swait.ge [sflag:s8], $0x4000  }
0x4c: {  	[sflag:s8] =	ssyncset.done $0x0  }
0x4d: {  	[sflag:s8] =	ssyncadd.s32 $0xFFFFC000  }
0x4e: {  	[hbm4b:s16+s2] =	stream.linear.scatter [tilespmem:s9], [sflag:$0x2], $0x4000, $0x38;
	[tilespmem:$0x8200] =	vst v63  }
.Ltmp1:
0x4f: {  	_ =	swait.ge [sflag:s11], $0x4000;
	(pc) =	sbr.rel @p0 .LBB2_1-.Ltmp1, $4  }
0x50: {  	[sflag:s11] =	ssyncset.done $0x0  }
0x51: {  	[sflag:s11] =	ssyncadd.s32 $0xFFFFC000  }
0x52: {  	_ =	swait.ge [sflag:s11], $0x4000  }
0x53: {  	[sflag:s11] =	ssyncset.done $0x0  }
.LBB2_2:
0x54: {  	[sflag:s11] =	ssyncadd.s32 $0xFFFFC000  }
0x55: {  	_ =	sfence.sel $0x180000  }
0x56: {  	[bflag:$0x0] =	sbarrier.arrive $0xFFFF  }
0x57: {  	p0 =	sne.s32 s1, $0x0;
	_ =	strace $0x90000047  }
0x58: {  	s0 =	sadd.s32 @!p0 $0x100000, s0;
	[bflag:$0x2] =	sbarrier.arrive $0xFFFF  }
0x59: {  	[sflag:s0] =	ssyncadd.tile.s32 @!p0 $0x1;
	_ =	shalt  }
.Lfunc_end2:
_tile_overlayer_lowered:
.L_overlay_start_2:
0x5a: {  	(tag) =	ssettag $0x2  }
0x5b: {  	s0 =	rddreg [dreg:$0x0];
	s2 =	stileid.u32  }
0x5c: {  	s1 =	rddreg [dreg:$0x1];
	p0 =	sne.s32 s2, $0x0  }
0x5d: {  	s3 =	rddreg [dreg:$0x2];
	[bflag:$0x3] =	sbarrier.arrive $0xFFFF;
	s2 =	simm.s32 @!p0 $0x1C03  }
0x5e: {  	[timem:s3], [sflag:s2] =	dma.local @!p0 [hbm:s0], s1  }
0x5f: {  	s0 =	simm.s32 @!p0 $0x3  }
0x60: {  	_ =	swait.ge @!p0 [sflag:s0], s1  }
0x61: {  	s1 =	ssub.s32 @!p0 $0x0, s1;
	[sflag:s0] =	ssyncset.done @!p0 $0x0  }
0x62: {  	[sflag:s0] =	ssyncadd.s32 @!p0 s1  }
0x63: {  	[bflag:$0x3] =	sbarrier.arrive $0xFFFF  }
0x64: {  	_ =	shalt  }

</sc_bundles>
